<compile_context>
chip_gen: v7x
topology: tpu7x:2x2x1
jax: 0.10.2.dev20260603
libtpu: 0.0.44.dev20260713+nightly
codegen_flags: <defaults>
</compile_context>

<pallas_src>
import math

import jax
import jax.numpy as jnp
from jax import lax
from jax.experimental import pallas as pl
from jax.experimental.pallas import tpu as pltpu
from jax.experimental.pallas import tpu_sc as plsc

B, N, D, HF, WF = 1, 6, 48, 32, 44
CCTX = 80
BEVH, BEVW, BEVZ, BEVC = 128, 128, 8, 128
STRIDE = 4
PC = (-50.0, -50.0, -5.0, 50.0, 50.0, 3.0)
PIX = HF * WF
NPIX = N * PIX
P = NPIX * D
HW = BEVH * BEVW
INVALID = BEVZ * HW
FW = 128

NTILES = 16
TPTS = P // NTILES
NCHUNK = 4
CH = TPTS // NCHUNK
SUBB = 64
RING = 4
LOOK = 2
SLAB = HW // 2
GARB = 64
AROWS = SLAB + GARB
ZSTR = AROWS // NTILES
CSTR = SLAB // NTILES


def _geometry(intrinsics, cam2ego):
    b, n, d, hf, wf = B, N, D, HF, WF
    xs = (jnp.arange(wf, dtype=jnp.float32) + 0.5) * STRIDE
    ys = (jnp.arange(hf, dtype=jnp.float32) + 0.5) * STRIDE
    v, u = jnp.meshgrid(ys, xs, indexing='ij')
    u = u.reshape(1, 1, 1, hf, wf)
    v = v.reshape(1, 1, 1, hf, wf)
    Z = jnp.linspace(1.0, 60.0, d).reshape(1, 1, d, 1, 1)
    fx = intrinsics[:, :, 0, 0].reshape(b, n, 1, 1, 1)
    fy = intrinsics[:, :, 1, 1].reshape(b, n, 1, 1, 1)
    cx = intrinsics[:, :, 0, 2].reshape(b, n, 1, 1, 1)
    cy = intrinsics[:, :, 1, 2].reshape(b, n, 1, 1, 1)
    Xc = (u - cx) / fx * Z
    Yc = (v - cy) / fy * Z
    Zc = jnp.broadcast_to(Z, Xc.shape)
    pts = jnp.stack([Xc, Yc, Zc, jnp.ones_like(Xc)], axis=-1)
    T = cam2ego.reshape(b, n, 1, 1, 1, 4, 4)
    pe = jnp.matmul(T, pts[..., None])[..., 0][..., :3]
    x_min, y_min, z_min, x_max, y_max, z_max = PC
    mx = (x_max - x_min) / BEVW
    my = (y_max - y_min) / BEVH
    mz = (z_max - z_min) / BEVZ
    ix = jnp.floor((pe[..., 0] - x_min) / mx).astype(jnp.int32)
    iy = jnp.floor((pe[..., 1] - y_min) / my).astype(jnp.int32)
    iz = jnp.floor((pe[..., 2] - z_min) / mz).astype(jnp.int32)
    valid = ((ix >= 0) & (ix < BEVW) & (iy >= 0) & (iy < BEVH)
             & (iz >= 0) & (iz < BEVZ))
    vind = (iz * BEVH + iy) * BEVW + ix
    return jnp.where(valid, vind, INVALID)


DBLK = 8


def _feat_body(dp_ref, ctx_ref, o_ref):
    c = ctx_ref[0]
    ones = jnp.ones((PIX, 1), jnp.float32)
    zeros = jnp.zeros((PIX, FW - CCTX - 1), jnp.float32)
    for d in range(DBLK):
        prod = dp_ref[0, d] * c
        o_ref[0, d] = jnp.concatenate([prod, ones, zeros], axis=1)


def _feat(dp4, ctx3, interpret=False):
    out = pl.pallas_call(
        _feat_body,
        grid=(N, D // DBLK),
        in_specs=[
            pl.BlockSpec((1, DBLK, PIX, 1), lambda i, j: (i, j, 0, 0)),
            pl.BlockSpec((1, PIX, CCTX), lambda i, j: (i, 0, 0)),
        ],
        out_specs=pl.BlockSpec((1, DBLK, PIX, FW), lambda i, j: (i, j, 0, 0)),
        out_shape=jax.ShapeDtypeStruct((N, D, PIX, FW), jnp.float32),
        interpret=interpret,
    )(dp4, ctx3)
    return out.reshape(P, FW)


def _sc_body(feat_hbm, vind_hbm, vox_hbm,
             A, vbuf, ptl, hwl, ptrow, hwrow, fstage, zbuf, sem_g, sem_s):
    core = lax.axis_index("c")
    sub = lax.axis_index("s")
    iota16 = jnp.arange(16, dtype=jnp.int32)

    def _zb(i, _):
        for cc in range(8):
            zbuf[i, pl.ds(cc * 16, 16)] = jnp.zeros((16,), jnp.float32)
        return 0
    lax.fori_loop(0, ZSTR // 12, _zb, 0)

    def _pass(p, _):
        kcur = p * 2 + core

        for q in range(12):
            row0 = sub * ZSTR + q * (ZSTR // 12)
            pltpu.sync_copy(zbuf, A.at[pl.ds(row0, ZSTR // 12)])
        plsc.subcore_barrier()

        def _chunk(kc, _):
            base = sub * TPTS + kc * CH
            pltpu.sync_copy(vind_hbm.at[pl.ds(base, CH)], vbuf)

            def _filt(g, cur):
                vv = vbuf[pl.ds(g * 16, 16)]
                m = (vv >> 13) == kcur
                hwv = vv & (SLAB - 1)
                ptv = base + g * 16 + iota16
                mi = m.astype(jnp.int32)
                incl = plsc.cumsum(mi)
                pos = cur + incl - mi
                plsc.store_scatter(hwl, [pos], hwv, mask=m)
                plsc.store_scatter(ptl, [pos], ptv, mask=m)
                return cur + jnp.sum(mi)
            nsel = lax.fori_loop(0, CH // 16, _filt, 0)

            def _pad(g, cur):
                pos = cur + iota16
                plsc.store_scatter(
                    hwl, [pos], SLAB + ((g * 16 + iota16) & (GARB - 1)))
                plsc.store_scatter(ptl, [pos], g * 16 + iota16)
                return cur + 16
            lax.fori_loop(0, SUBB // 16, _pad, nsel)

            nb = (nsel + SUBB - 1) >> 6

            def _fire(j):
                slot = lax.rem(j, RING)
                for r in range(SUBB // 16):
                    ptrow[slot, pl.ds(r * 16, 16)] = \
                        ptl[pl.ds(j * SUBB + r * 16, 16)]
                pltpu.async_copy(feat_hbm.at[ptrow.at[slot]], fstage.at[slot],
                                 sem_g)

            def _pro(j, _):
                @pl.when(j < nb)
                def _():
                    _fire(j)
                return 0
            lax.fori_loop(0, LOOK, _pro, 0)

            def _batch(j, _):
                slot = lax.rem(j, RING)

                @pl.when(j >= LOOK)
                def _():
                    sl2 = lax.rem(j - LOOK, RING)
                    pltpu.make_async_copy(fstage.at[sl2], A.at[hwrow.at[sl2]],
                                          sem_s).wait()

                @pl.when(j + LOOK < nb)
                def _():
                    _fire(j + LOOK)

                pltpu.make_async_copy(feat_hbm.at[pl.ds(0, SUBB)],
                                      fstage.at[slot], sem_g).wait()
                for r in range(SUBB // 16):
                    hwrow[slot, pl.ds(r * 16, 16)] = \
                        hwl[pl.ds(j * SUBB + r * 16, 16)]
                pltpu.async_copy(fstage.at[slot], A.at[hwrow.at[slot]], sem_s,
                                 add=True)
                return 0
            lax.fori_loop(0, nb, _batch, 0)

            def _sdrain(j, _):
                slot = lax.rem(j, RING)
                pltpu.make_async_copy(fstage.at[slot], A.at[hwrow.at[slot]],
                                      sem_s).wait()
                return 0
            lax.fori_loop(jnp.maximum(nb - LOOK, 0), nb, _sdrain, 0)
            return 0
        lax.fori_loop(0, NCHUNK, _chunk, 0)
        plsc.subcore_barrier()

        vbase = kcur * SLAB + sub * CSTR
        pltpu.sync_copy(A.at[pl.ds(sub * CSTR, CSTR)],
                        vox_hbm.at[pl.ds(vbase, CSTR)])
        plsc.subcore_barrier()
        return 0
    lax.fori_loop(0, 8, _pass, 0)


def _sc_scatter(feat, vind):
    mesh = plsc.VectorSubcoreMesh(core_axis_name="c", subcore_axis_name="s",
                                  num_cores=2, num_subcores=NTILES)
    f = pl.kernel(
        _sc_body,
        out_type=jax.ShapeDtypeStruct((BEVZ * HW, FW), jnp.float32),
        mesh=mesh,
        compiler_params=pltpu.CompilerParams(needs_layout_passes=False),
        scratch_types=[
            pltpu.VMEM_SHARED((AROWS, FW), jnp.float32),
            pltpu.VMEM((CH,), jnp.int32),
            pltpu.VMEM((CH + SUBB,), jnp.int32),
            pltpu.VMEM((CH + SUBB,), jnp.int32),
            pltpu.VMEM((RING, SUBB), jnp.int32),
            pltpu.VMEM((RING, SUBB), jnp.int32),
            pltpu.VMEM((RING, SUBB, FW), jnp.float32),
            pltpu.VMEM((ZSTR // 12, FW), jnp.float32),
            pltpu.SemaphoreType.DMA,
            pltpu.SemaphoreType.DMA,
        ],
    )
    return f(feat, vind)


def _finish_body(wr_ref, vox_ref, gam_ref, bet_ref, o_ref):
    acc = jnp.zeros((BEVC, 128), jnp.float32)
    for z in range(BEVZ):
        blk = vox_ref[z]
        vb = blk[:, :CCTX]
        c = blk[:, CCTX]
        inv = 1.0 / jnp.maximum(c, 1.0)
        vbn = vb * inv[:, None]
        acc += lax.dot_general(wr_ref[z], vbn, (((1,), (1,)), ((), ())),
                               preferred_element_type=jnp.float32)
    o_ref[...] = jnp.maximum(acc * gam_ref[...] + bet_ref[...], 0.0)


def _finish(wr, vox, gs, beta, interpret=False):
    grid = HW // 128
    return pl.pallas_call(
        _finish_body,
        grid=(grid,),
        in_specs=[
            pl.BlockSpec((BEVZ, BEVC, CCTX), lambda i: (0, 0, 0)),
            pl.BlockSpec((BEVZ, 128, FW), lambda i: (0, i, 0)),
            pl.BlockSpec((BEVC, 1), lambda i: (0, 0)),
            pl.BlockSpec((BEVC, 1), lambda i: (0, 0)),
        ],
        out_specs=pl.BlockSpec((BEVC, 128), lambda i: (0, i)),
        out_shape=jax.ShapeDtypeStruct((BEVC, HW), jnp.float32),
        interpret=interpret,
    )(wr, vox, gs, beta)


def kernel(depth_prob, context, intrinsics, cam2ego, W, gamma, beta):
    vind = _geometry(intrinsics, cam2ego).reshape(-1)
    dp4 = depth_prob.reshape(N, D, PIX, 1)
    ctx3 = jnp.transpose(context.reshape(N, CCTX, PIX), (0, 2, 1))
    feat = _feat(dp4, ctx3)
    vox = _sc_scatter(feat, vind)
    vox3 = vox.reshape(BEVZ, HW, FW)
    wr = jnp.transpose(W.reshape(BEVC, CCTX, BEVZ), (2, 0, 1))
    gs = (gamma / math.sqrt(1.0 + 1e-5)).reshape(BEVC, 1)
    y = _finish(wr, vox3, gs, beta.reshape(BEVC, 1))
    return y.reshape(1, BEVC, BEVH, BEVW)

# --- scband reference (transcript-rebuilt; emitter-appended) ---
"""Pipeline reference for scband-bevfusion-model-18133351923977 (READ-ONLY COPY).

The authoritative reference and input builder live on the scoring server;
editing this copy changes nothing except your own understanding.
"""

import jax, jax.numpy as jnp
import numpy as np

B, N, D, HF, WF = 1, 6, 48, 32, 44
CCTX = 80
BEVH, BEVW, BEVZ, BEVC = 128, 128, 8, 128
STRIDE = 4
PC = (-50.0, -50.0, -5.0, 50.0, 50.0, 3.0)


def _camera_geom(b, n):
    rng = np.random.default_rng(0)
    K = np.zeros((b, n, 3, 3), np.float32)
    K[:, :, 0, 0] = 250.0 + 50.0 * rng.random((b, n))
    K[:, :, 1, 1] = 250.0 + 50.0 * rng.random((b, n))
    K[:, :, 0, 2] = 88.0
    K[:, :, 1, 2] = 64.0
    K[:, :, 2, 2] = 1.0
    camfix = np.array([[0., 0., 1.], [-1., 0., 0.], [0., -1., 0.]], np.float32)
    T = np.zeros((b, n, 4, 4), np.float32)
    for bi in range(b):
        for ni in range(n):
            yaw = 2.0 * np.pi * ni / n
            c, s = np.cos(yaw), np.sin(yaw)
            Rz = np.array([[c, -s, 0.], [s, c, 0.], [0., 0., 1.]], np.float32)
            T[bi, ni, :3, :3] = Rz @ camfix
            T[bi, ni, :3, 3] = np.array([1.0 * c, 1.0 * s, 1.6], np.float32)
            T[bi, ni, 3, 3] = 1.0
    return K, T


def setup_inputs(seed: int = 0):
    key = jax.random.key(seed)
    k0, k1, k2 = jax.random.split(key, 3)
    depth_prob = jax.nn.softmax(jax.random.normal(k0, (B, N, D, HF, WF), jnp.float32), axis=2)
    context = jax.random.normal(k1, (B, N, CCTX, HF, WF), jnp.float32)
    K, T = _camera_geom(B, N)
    W = 0.02 * jax.random.normal(k2, (BEVC, CCTX * BEVZ), jnp.float32)
    gamma = jnp.ones((BEVC,), jnp.float32)
    beta = jnp.zeros((BEVC,), jnp.float32)
    return {"depth_prob": depth_prob, "context": context, "intrinsics": jnp.asarray(K),
            "cam2ego": jnp.asarray(T), "W": W, "gamma": gamma, "beta": beta}


def reference(depth_prob, context, intrinsics, cam2ego, W, gamma, beta):
    b, n, d, hf, wf = depth_prob.shape
    xs = (jnp.arange(wf, dtype=jnp.float32) + 0.5) * STRIDE
    ys = (jnp.arange(hf, dtype=jnp.float32) + 0.5) * STRIDE
    v, u = jnp.meshgrid(ys, xs, indexing='ij')
    u = u.reshape(1, 1, 1, hf, wf)
    v = v.reshape(1, 1, 1, hf, wf)
    Z = jnp.linspace(1.0, 60.0, d).reshape(1, 1, d, 1, 1)
    fx = intrinsics[:, :, 0, 0].reshape(b, n, 1, 1, 1)
    fy = intrinsics[:, :, 1, 1].reshape(b, n, 1, 1, 1)
    cx = intrinsics[:, :, 0, 2].reshape(b, n, 1, 1, 1)
    cy = intrinsics[:, :, 1, 2].reshape(b, n, 1, 1, 1)
    Xc = (u - cx) / fx * Z
    Yc = (v - cy) / fy * Z
    Zc = jnp.broadcast_to(Z, Xc.shape)
    pts = jnp.stack([Xc, Yc, Zc, jnp.ones_like(Xc)], axis=-1)
    T = cam2ego.reshape(b, n, 1, 1, 1, 4, 4)
    pe = jnp.matmul(T, pts[..., None])[..., 0][..., :3]
    x_min, y_min, z_min, x_max, y_max, z_max = PC
    mx = (x_max - x_min) / BEVW
    my = (y_max - y_min) / BEVH
    mz = (z_max - z_min) / BEVZ
    ix = jnp.floor((pe[..., 0] - x_min) / mx).astype(jnp.int32)
    iy = jnp.floor((pe[..., 1] - y_min) / my).astype(jnp.int32)
    iz = jnp.floor((pe[..., 2] - z_min) / mz).astype(jnp.int32)
    valid = (ix >= 0) & (ix < BEVW) & (iy >= 0) & (iy < BEVH) & (iz >= 0) & (iz < BEVZ)
    vind = (iz * BEVH + iy) * BEVW + ix
    feat = depth_prob[:, :, :, None] * context[:, :, None]
    feat = jnp.transpose(feat, (0, 1, 2, 4, 5, 3)).reshape(b, -1, CCTX)
    HWZ = BEVW * BEVH * BEVZ
    gind = (vind.reshape(b, -1) + jnp.arange(b, dtype=jnp.int32).reshape(b, 1) * HWZ).reshape(-1)
    gmsk = valid.reshape(-1)
    gind = jnp.where(gmsk, gind, 0)
    feat_flat = feat.reshape(-1, CCTX) * gmsk[:, None].astype(jnp.float32)
    vox = jax.ops.segment_sum(feat_flat, gind, num_segments=b * HWZ)
    cnt = jax.ops.segment_sum(gmsk.astype(jnp.float32), gind, num_segments=b * HWZ)
    vox = vox / jnp.maximum(cnt, 1.0)[:, None]
    vox = jnp.transpose(vox, (1, 0)).reshape(CCTX, b, BEVZ, BEVH, BEVW)
    vox = jnp.transpose(vox, (1, 0, 2, 3, 4)).reshape(b, CCTX * BEVZ, BEVH, BEVW)
    y = jnp.einsum('oc,bchw->bohw', W, vox)
    y = (y / jnp.sqrt(1.0 + 1e-5)) * gamma.reshape(1, -1, 1, 1) + beta.reshape(1, -1, 1, 1)
    return jnp.maximum(y, 0.0)

if __name__ == "__main__":
    import jax
    _d = setup_inputs()
    print(jax.jit(kernel)(*tuple(_d.values())))

</pallas_src>

<mosaic_0001>
#map = affine_map<(d0, d1) -> (0, 0)>
#map1 = affine_map<(d0, d1) -> (0)>
module attributes {stable_mosaic.version = 14 : i64} {
  func.func @_sc_body(%arg0: i32, %arg1: i32, %arg2: memref<405504x128xf32, #tpu.memory_space<hbm>>, %arg3: memref<405504xi32, #tpu.memory_space<hbm>>, %arg4: memref<131072x128xf32, #tpu.memory_space<hbm>>, %arg5: memref<8256x128xf32, #tpu.memory_space<vmem_shared>>, %arg6: memref<6336xi32, #tpu.memory_space<vmem>>, %arg7: memref<6400xi32, #tpu.memory_space<vmem>>, %arg8: memref<6400xi32, #tpu.memory_space<vmem>>, %arg9: memref<4x64xi32, #tpu.memory_space<vmem>>, %arg10: memref<4x64xi32, #tpu.memory_space<vmem>>, %arg11: memref<4x64x128xf32, #tpu.memory_space<vmem>>, %arg12: memref<43x128xf32, #tpu.memory_space<vmem>>, %arg13: memref<!tpu.dma_semaphore, #tpu.memory_space<semaphore_mem>>, %arg14: memref<!tpu.dma_semaphore, #tpu.memory_space<semaphore_mem>>) attributes {dimension_semantics = [#tpu.dimension_semantics<core_parallel>, #tpu.dimension_semantics<subcore_parallel>], iteration_bounds = array<i64: 2, 16>, scalar_prefetch = 0 : i64, scratch_operands = 10 : i64, tpu.core_type = #tpu.core_type<sc_vector_subcore>, window_params = [{transform_indices = #map}, {transform_indices = #map1}, {transform_indices = #map}]} {
    %iota3A = tpu.iota {dimensions = array<i32: 0>} : vector<16xi32>
    %scan3A = arith.constant 0 : i32
    %scan3A_0 = arith.constant 0 : i32
    %scan3A_1 = arith.constant 43 : i32
    %scan3A_2 = arith.addi %scan3A_0, %scan3A_1 : i32
    %scan3A_3 = arith.constant 1 : i32
    %scan3A_4 = scf.for %scan3A_13 = %scan3A_0 to %scan3A_2 step %scan3A_3 iter_args(%scan3A_14 = %scan3A) -> (i32)  : i32 {
      %broadcast_in_dim3A = arith.constant 0.000000e+00 : f32
      %broadcast_in_dim3A_15 = vector.broadcast %broadcast_in_dim3A : f32 to vector<16xf32>
      %swap3A = arith.index_cast %scan3A_13 : i32 to index
      %swap3A_16 = arith.constant 0 : index
      %swap3A_17 = tpu.vector_load %arg12[%swap3A, %swap3A_16] {strides = array<i32>} : memref<43x128xf32, #tpu.memory_space<vmem>>, vector<16xf32>,
      tpu.vector_store %arg12[%swap3A, %swap3A_16], %broadcast_in_dim3A_15 {strides = array<i32>} : memref<43x128xf32, #tpu.memory_space<vmem>>, vector<16xf32>,
      %broadcast_in_dim3A_18 = arith.constant 0.000000e+00 : f32
      %broadcast_in_dim3A_19 = vector.broadcast %broadcast_in_dim3A_18 : f32 to vector<16xf32>
      %swap3A_20 = arith.index_cast %scan3A_13 : i32 to index
      %swap3A_21 = arith.constant 16 : index
      %swap3A_22 = tpu.vector_load %arg12[%swap3A_20, %swap3A_21] {strides = array<i32>} : memref<43x128xf32, #tpu.memory_space<vmem>>, vector<16xf32>,
      tpu.vector_store %arg12[%swap3A_20, %swap3A_21], %broadcast_in_dim3A_19 {strides = array<i32>} : memref<43x128xf32, #tpu.memory_space<vmem>>, vector<16xf32>,
      %broadcast_in_dim3A_23 = arith.constant 0.000000e+00 : f32
      %broadcast_in_dim3A_24 = vector.broadcast %broadcast_in_dim3A_23 : f32 to vector<16xf32>
      %swap3A_25 = arith.index_cast %scan3A_13 : i32 to index
      %swap3A_26 = arith.constant 32 : index
      %swap3A_27 = tpu.vector_load %arg12[%swap3A_25, %swap3A_26] {strides = array<i32>} : memref<43x128xf32, #tpu.memory_space<vmem>>, vector<16xf32>,
      tpu.vector_store %arg12[%swap3A_25, %swap3A_26], %broadcast_in_dim3A_24 {strides = array<i32>} : memref<43x128xf32, #tpu.memory_space<vmem>>, vector<16xf32>,
      %broadcast_in_dim3A_28 = arith.constant 0.000000e+00 : f32
      %broadcast_in_dim3A_29 = vector.broadcast %broadcast_in_dim3A_28 : f32 to vector<16xf32>
      %swap3A_30 = arith.index_cast %scan3A_13 : i32 to index
      %swap3A_31 = arith.constant 48 : index
      %swap3A_32 = tpu.vector_load %arg12[%swap3A_30, %swap3A_31] {strides = array<i32>} : memref<43x128xf32, #tpu.memory_space<vmem>>, vector<16xf32>,
      tpu.vector_store %arg12[%swap3A_30, %swap3A_31], %broadcast_in_dim3A_29 {strides = array<i32>} : memref<43x128xf32, #tpu.memory_space<vmem>>, vector<16xf32>,
      %broadcast_in_dim3A_33 = arith.constant 0.000000e+00 : f32
      %broadcast_in_dim3A_34 = vector.broadcast %broadcast_in_dim3A_33 : f32 to vector<16xf32>
      %swap3A_35 = arith.index_cast %scan3A_13 : i32 to index
      %swap3A_36 = arith.constant 64 : index
      %swap3A_37 = tpu.vector_load %arg12[%swap3A_35, %swap3A_36] {strides = array<i32>} : memref<43x128xf32, #tpu.memory_space<vmem>>, vector<16xf32>,
      tpu.vector_store %arg12[%swap3A_35, %swap3A_36], %broadcast_in_dim3A_34 {strides = array<i32>} : memref<43x128xf32, #tpu.memory_space<vmem>>, vector<16xf32>,
      %broadcast_in_dim3A_38 = arith.constant 0.000000e+00 : f32
      %broadcast_in_dim3A_39 = vector.broadcast %broadcast_in_dim3A_38 : f32 to vector<16xf32>
      %swap3A_40 = arith.index_cast %scan3A_13 : i32 to index
      %swap3A_41 = arith.constant 80 : index
      %swap3A_42 = tpu.vector_load %arg12[%swap3A_40, %swap3A_41] {strides = array<i32>} : memref<43x128xf32, #tpu.memory_space<vmem>>, vector<16xf32>,
      tpu.vector_store %arg12[%swap3A_40, %swap3A_41], %broadcast_in_dim3A_39 {strides = array<i32>} : memref<43x128xf32, #tpu.memory_space<vmem>>, vector<16xf32>,
      %broadcast_in_dim3A_43 = arith.constant 0.000000e+00 : f32
      %broadcast_in_dim3A_44 = vector.broadcast %broadcast_in_dim3A_43 : f32 to vector<16xf32>
      %swap3A_45 = arith.index_cast %scan3A_13 : i32 to index
      %swap3A_46 = arith.constant 96 : index
      %swap3A_47 = tpu.vector_load %arg12[%swap3A_45, %swap3A_46] {strides = array<i32>} : memref<43x128xf32, #tpu.memory_space<vmem>>, vector<16xf32>,
      tpu.vector_store %arg12[%swap3A_45, %swap3A_46], %broadcast_in_dim3A_44 {strides = array<i32>} : memref<43x128xf32, #tpu.memory_space<vmem>>, vector<16xf32>,
      %broadcast_in_dim3A_48 = arith.constant 0.000000e+00 : f32
      %broadcast_in_dim3A_49 = vector.broadcast %broadcast_in_dim3A_48 : f32 to vector<16xf32>
      %swap3A_50 = arith.index_cast %scan3A_13 : i32 to index
      %swap3A_51 = arith.constant 112 : index
      %swap3A_52 = tpu.vector_load %arg12[%swap3A_50, %swap3A_51] {strides = array<i32>} : memref<43x128xf32, #tpu.memory_space<vmem>>, vector<16xf32>,
      tpu.vector_store %arg12[%swap3A_50, %swap3A_51], %broadcast_in_dim3A_49 {strides = array<i32>} : memref<43x128xf32, #tpu.memory_space<vmem>>, vector<16xf32>,
      %scan3A_53 = arith.constant 0 : i32
      scf.yield %scan3A_53 : i32
    }
    %scan3A_5 = arith.constant 43 : i32
    %scan3A_6 = arith.constant 0 : i32
    %scan3A_7 = arith.constant 0 : i32
    %scan3A_8 = arith.constant 8 : i32
    %scan3A_9 = arith.addi %scan3A_7, %scan3A_8 : i32
    %scan3A_10 = arith.constant 1 : i32
    %scan3A_11 = scf.for %scan3A_13 = %scan3A_7 to %scan3A_9 step %scan3A_10 iter_args(%scan3A_14 = %scan3A_6) -> (i32)  : i32 {
      %mul3A = arith.constant 2 : i32
      %mul3A_15 = arith.muli %scan3A_13, %mul3A : i32
      %add3A = arith.addi %mul3A_15, %arg0 : i32
      %mul3A_16 = arith.constant 516 : i32
      %mul3A_17 = arith.muli %arg1, %mul3A_16 : i32
      %add3A_18 = arith.constant 0 : i32
      %add3A_19 = arith.addi %mul3A_17, %add3A_18 : i32
      "tpu.region"() ({
        %run_scoped3A = tpu.sem_alloc : memref<!tpu.dma_semaphore, #tpu.memory_space<semaphore_mem>>
        %dma_start3A = arith.constant 0 : i32
        %dma_start3A_81 = tpu.memref_slice %arg5[%add3A_19, %dma_start3A] : memref<8256x128xf32, #tpu.memory_space<vmem_shared>> -> memref<43x128xf32, #tpu.memory_space<vmem_shared>>
        %dma_start3A_82 = arith.constant 0 : i32
        %dma_start3A_83 = tpu.memref_slice %arg5[%add3A_19, %dma_start3A_82] : memref<8256x128xf32, #tpu.memory_space<vmem_shared>> -> memref<43x128xf32, #tpu.memory_space<vmem_shared>>
        tpu.enqueue_dma source(%arg12 : memref<43x128xf32, #tpu.memory_space<vmem>>) target(%dma_start3A_83 : memref<43x128xf32, #tpu.memory_space<vmem_shared>>) target_semaphore(%run_scoped3A : memref<!tpu.dma_semaphore, #tpu.memory_space<semaphore_mem>>)
        %dma_wait3A = arith.constant 0 : i32
        %dma_wait3A_84 = tpu.memref_slice %arg5[%add3A_19, %dma_wait3A] : memref<8256x128xf32, #tpu.memory_space<vmem_shared>> -> memref<43x128xf32, #tpu.memory_space<vmem_shared>>
        %dma_wait3A_85 = arith.constant 0 : i32
        %dma_wait3A_86 = tpu.memref_slice %arg5[%add3A_19, %dma_wait3A_85] : memref<8256x128xf32, #tpu.memory_space<vmem_shared>> -> memref<43x128xf32, #tpu.memory_space<vmem_shared>>
        tpu.wait_dma2 semaphore(%run_scoped3A : memref<!tpu.dma_semaphore, #tpu.memory_space<semaphore_mem>>) src(%arg12 : memref<43x128xf32, #tpu.memory_space<vmem>>) dst(%dma_wait3A_86 : memref<43x128xf32, #tpu.memory_space<vmem_shared>>)
        tpu.yield
      }) : () -> ()
      %mul3A_20 = arith.constant 516 : i32
      %mul3A_21 = arith.muli %arg1, %mul3A_20 : i32
      %add3A_22 = arith.constant 43 : i32
      %add3A_23 = arith.addi %mul3A_21, %add3A_22 : i32
      "tpu.region"() ({
        %run_scoped3A = tpu.sem_alloc : memref<!tpu.dma_semaphore, #tpu.memory_space<semaphore_mem>>
        %dma_start3A = arith.constant 0 : i32
        %dma_start3A_81 = tpu.memref_slice %arg5[%add3A_23, %dma_start3A] : memref<8256x128xf32, #tpu.memory_space<vmem_shared>> -> memref<43x128xf32, #tpu.memory_space<vmem_shared>>
        %dma_start3A_82 = arith.constant 0 : i32
        %dma_start3A_83 = tpu.memref_slice %arg5[%add3A_23, %dma_start3A_82] : memref<8256x128xf32, #tpu.memory_space<vmem_shared>> -> memref<43x128xf32, #tpu.memory_space<vmem_shared>>
        tpu.enqueue_dma source(%arg12 : memref<43x128xf32, #tpu.memory_space<vmem>>) target(%dma_start3A_83 : memref<43x128xf32, #tpu.memory_space<vmem_shared>>) target_semaphore(%run_scoped3A : memref<!tpu.dma_semaphore, #tpu.memory_space<semaphore_mem>>)
        %dma_wait3A = arith.constant 0 : i32
        %dma_wait3A_84 = tpu.memref_slice %arg5[%add3A_23, %dma_wait3A] : memref<8256x128xf32, #tpu.memory_space<vmem_shared>> -> memref<43x128xf32, #tpu.memory_space<vmem_shared>>
        %dma_wait3A_85 = arith.constant 0 : i32
        %dma_wait3A_86 = tpu.memref_slice %arg5[%add3A_23, %dma_wait3A_85] : memref<8256x128xf32, #tpu.memory_space<vmem_shared>> -> memref<43x128xf32, #tpu.memory_space<vmem_shared>>
        tpu.wait_dma2 semaphore(%run_scoped3A : memref<!tpu.dma_semaphore, #tpu.memory_space<semaphore_mem>>) src(%arg12 : memref<43x128xf32, #tpu.memory_space<vmem>>) dst(%dma_wait3A_86 : memref<43x128xf32, #tpu.memory_space<vmem_shared>>)
        tpu.yield
      }) : () -> ()
      %mul3A_24 = arith.constant 516 : i32
      %mul3A_25 = arith.muli %arg1, %mul3A_24 : i32
      %add3A_26 = arith.constant 86 : i32
      %add3A_27 = arith.addi %mul3A_25, %add3A_26 : i32
      "tpu.region"() ({
        %run_scoped3A = tpu.sem_alloc : memref<!tpu.dma_semaphore, #tpu.memory_space<semaphore_mem>>
        %dma_start3A = arith.constant 0 : i32
        %dma_start3A_81 = tpu.memref_slice %arg5[%add3A_27, %dma_start3A] : memref<8256x128xf32, #tpu.memory_space<vmem_shared>> -> memref<43x128xf32, #tpu.memory_space<vmem_shared>>
        %dma_start3A_82 = arith.constant 0 : i32
        %dma_start3A_83 = tpu.memref_slice %arg5[%add3A_27, %dma_start3A_82] : memref<8256x128xf32, #tpu.memory_space<vmem_shared>> -> memref<43x128xf32, #tpu.memory_space<vmem_shared>>
        tpu.enqueue_dma source(%arg12 : memref<43x128xf32, #tpu.memory_space<vmem>>) target(%dma_start3A_83 : memref<43x128xf32, #tpu.memory_space<vmem_shared>>) target_semaphore(%run_scoped3A : memref<!tpu.dma_semaphore, #tpu.memory_space<semaphore_mem>>)
        %dma_wait3A = arith.constant 0 : i32
        %dma_wait3A_84 = tpu.memref_slice %arg5[%add3A_27, %dma_wait3A] : memref<8256x128xf32, #tpu.memory_space<vmem_shared>> -> memref<43x128xf32, #tpu.memory_space<vmem_shared>>
        %dma_wait3A_85 = arith.constant 0 : i32
        %dma_wait3A_86 = tpu.memref_slice %arg5[%add3A_27, %dma_wait3A_85] : memref<8256x128xf32, #tpu.memory_space<vmem_shared>> -> memref<43x128xf32, #tpu.memory_space<vmem_shared>>
        tpu.wait_dma2 semaphore(%run_scoped3A : memref<!tpu.dma_semaphore, #tpu.memory_space<semaphore_mem>>) src(%arg12 : memref<43x128xf32, #tpu.memory_space<vmem>>) dst(%dma_wait3A_86 : memref<43x128xf32, #tpu.memory_space<vmem_shared>>)
        tpu.yield
      }) : () -> ()
      %mul3A_28 = arith.constant 516 : i32
      %mul3A_29 = arith.muli %arg1, %mul3A_28 : i32
      %add3A_30 = arith.constant 129 : i32
      %add3A_31 = arith.addi %mul3A_29, %add3A_30 : i32
      "tpu.region"() ({
        %run_scoped3A = tpu.sem_alloc : memref<!tpu.dma_semaphore, #tpu.memory_space<semaphore_mem>>
        %dma_start3A = arith.constant 0 : i32
        %dma_start3A_81 = tpu.memref_slice %arg5[%add3A_31, %dma_start3A] : memref<8256x128xf32, #tpu.memory_space<vmem_shared>> -> memref<43x128xf32, #tpu.memory_space<vmem_shared>>
        %dma_start3A_82 = arith.constant 0 : i32
        %dma_start3A_83 = tpu.memref_slice %arg5[%add3A_31, %dma_start3A_82] : memref<8256x128xf32, #tpu.memory_space<vmem_shared>> -> memref<43x128xf32, #tpu.memory_space<vmem_shared>>
        tpu.enqueue_dma source(%arg12 : memref<43x128xf32, #tpu.memory_space<vmem>>) target(%dma_start3A_83 : memref<43x128xf32, #tpu.memory_space<vmem_shared>>) target_semaphore(%run_scoped3A : memref<!tpu.dma_semaphore, #tpu.memory_space<semaphore_mem>>)
        %dma_wait3A = arith.constant 0 : i32
        %dma_wait3A_84 = tpu.memref_slice %arg5[%add3A_31, %dma_wait3A] : memref<8256x128xf32, #tpu.memory_space<vmem_shared>> -> memref<43x128xf32, #tpu.memory_space<vmem_shared>>
        %dma_wait3A_85 = arith.constant 0 : i32
        %dma_wait3A_86 = tpu.memref_slice %arg5[%add3A_31, %dma_wait3A_85] : memref<8256x128xf32, #tpu.memory_space<vmem_shared>> -> memref<43x128xf32, #tpu.memory_space<vmem_shared>>
        tpu.wait_dma2 semaphore(%run_scoped3A : memref<!tpu.dma_semaphore, #tpu.memory_space<semaphore_mem>>) src(%arg12 : memref<43x128xf32, #tpu.memory_space<vmem>>) dst(%dma_wait3A_86 : memref<43x128xf32, #tpu.memory_space<vmem_shared>>)
        tpu.yield
      }) : () -> ()
      %mul3A_32 = arith.constant 516 : i32
      %mul3A_33 = arith.muli %arg1, %mul3A_32 : i32
      %add3A_34 = arith.constant 172 : i32
      %add3A_35 = arith.addi %mul3A_33, %add3A_34 : i32
      "tpu.region"() ({
        %run_scoped3A = tpu.sem_alloc : memref<!tpu.dma_semaphore, #tpu.memory_space<semaphore_mem>>
        %dma_start3A = arith.constant 0 : i32
        %dma_start3A_81 = tpu.memref_slice %arg5[%add3A_35, %dma_start3A] : memref<8256x128xf32, #tpu.memory_space<vmem_shared>> -> memref<43x128xf32, #tpu.memory_space<vmem_shared>>
        %dma_start3A_82 = arith.constant 0 : i32
        %dma_start3A_83 = tpu.memref_slice %arg5[%add3A_35, %dma_start3A_82] : memref<8256x128xf32, #tpu.memory_space<vmem_shared>> -> memref<43x128xf32, #tpu.memory_space<vmem_shared>>
        tpu.enqueue_dma source(%arg12 : memref<43x128xf32, #tpu.memory_space<vmem>>) target(%dma_start3A_83 : memref<43x128xf32, #tpu.memory_space<vmem_shared>>) target_semaphore(%run_scoped3A : memref<!tpu.dma_semaphore, #tpu.memory_space<semaphore_mem>>)
        %dma_wait3A = arith.constant 0 : i32
        %dma_wait3A_84 = tpu.memref_slice %arg5[%add3A_35, %dma_wait3A] : memref<8256x128xf32, #tpu.memory_space<vmem_shared>> -> memref<43x128xf32, #tpu.memory_space<vmem_shared>>
        %dma_wait3A_85 = arith.constant 0 : i32
        %dma_wait3A_86 = tpu.memref_slice %arg5[%add3A_35, %dma_wait3A_85] : memref<8256x128xf32, #tpu.memory_space<vmem_shared>> -> memref<43x128xf32, #tpu.memory_space<vmem_shared>>
        tpu.wait_dma2 semaphore(%run_scoped3A : memref<!tpu.dma_semaphore, #tpu.memory_space<semaphore_mem>>) src(%arg12 : memref<43x128xf32, #tpu.memory_space<vmem>>) dst(%dma_wait3A_86 : memref<43x128xf32, #tpu.memory_space<vmem_shared>>)
        tpu.yield
      }) : () -> ()
      %mul3A_36 = arith.constant 516 : i32
      %mul3A_37 = arith.muli %arg1, %mul3A_36 : i32
      %add3A_38 = arith.constant 215 : i32
      %add3A_39 = arith.addi %mul3A_37, %add3A_38 : i32
      "tpu.region"() ({
        %run_scoped3A = tpu.sem_alloc : memref<!tpu.dma_semaphore, #tpu.memory_space<semaphore_mem>>
        %dma_start3A = arith.constant 0 : i32
        %dma_start3A_81 = tpu.memref_slice %arg5[%add3A_39, %dma_start3A] : memref<8256x128xf32, #tpu.memory_space<vmem_shared>> -> memref<43x128xf32, #tpu.memory_space<vmem_shared>>
        %dma_start3A_82 = arith.constant 0 : i32
        %dma_start3A_83 = tpu.memref_slice %arg5[%add3A_39, %dma_start3A_82] : memref<8256x128xf32, #tpu.memory_space<vmem_shared>> -> memref<43x128xf32, #tpu.memory_space<vmem_shared>>
        tpu.enqueue_dma source(%arg12 : memref<43x128xf32, #tpu.memory_space<vmem>>) target(%dma_start3A_83 : memref<43x128xf32, #tpu.memory_space<vmem_shared>>) target_semaphore(%run_scoped3A : memref<!tpu.dma_semaphore, #tpu.memory_space<semaphore_mem>>)
        %dma_wait3A = arith.constant 0 : i32
        %dma_wait3A_84 = tpu.memref_slice %arg5[%add3A_39, %dma_wait3A] : memref<8256x128xf32, #tpu.memory_space<vmem_shared>> -> memref<43x128xf32, #tpu.memory_space<vmem_shared>>
        %dma_wait3A_85 = arith.constant 0 : i32
        %dma_wait3A_86 = tpu.memref_slice %arg5[%add3A_39, %dma_wait3A_85] : memref<8256x128xf32, #tpu.memory_space<vmem_shared>> -> memref<43x128xf32, #tpu.memory_space<vmem_shared>>
        tpu.wait_dma2 semaphore(%run_scoped3A : memref<!tpu.dma_semaphore, #tpu.memory_space<semaphore_mem>>) src(%arg12 : memref<43x128xf32, #tpu.memory_space<vmem>>) dst(%dma_wait3A_86 : memref<43x128xf32, #tpu.memory_space<vmem_shared>>)
        tpu.yield
      }) : () -> ()
      %mul3A_40 = arith.constant 516 : i32
      %mul3A_41 = arith.muli %arg1, %mul3A_40 : i32
      %add3A_42 = arith.constant 258 : i32
      %add3A_43 = arith.addi %mul3A_41, %add3A_42 : i32
      "tpu.region"() ({
        %run_scoped3A = tpu.sem_alloc : memref<!tpu.dma_semaphore, #tpu.memory_space<semaphore_mem>>
        %dma_start3A = arith.constant 0 : i32
        %dma_start3A_81 = tpu.memref_slice %arg5[%add3A_43, %dma_start3A] : memref<8256x128xf32, #tpu.memory_space<vmem_shared>> -> memref<43x128xf32, #tpu.memory_space<vmem_shared>>
        %dma_start3A_82 = arith.constant 0 : i32
        %dma_start3A_83 = tpu.memref_slice %arg5[%add3A_43, %dma_start3A_82] : memref<8256x128xf32, #tpu.memory_space<vmem_shared>> -> memref<43x128xf32, #tpu.memory_space<vmem_shared>>
        tpu.enqueue_dma source(%arg12 : memref<43x128xf32, #tpu.memory_space<vmem>>) target(%dma_start3A_83 : memref<43x128xf32, #tpu.memory_space<vmem_shared>>) target_semaphore(%run_scoped3A : memref<!tpu.dma_semaphore, #tpu.memory_space<semaphore_mem>>)
        %dma_wait3A = arith.constant 0 : i32
        %dma_wait3A_84 = tpu.memref_slice %arg5[%add3A_43, %dma_wait3A] : memref<8256x128xf32, #tpu.memory_space<vmem_shared>> -> memref<43x128xf32, #tpu.memory_space<vmem_shared>>
        %dma_wait3A_85 = arith.constant 0 : i32
        %dma_wait3A_86 = tpu.memref_slice %arg5[%add3A_43, %dma_wait3A_85] : memref<8256x128xf32, #tpu.memory_space<vmem_shared>> -> memref<43x128xf32, #tpu.memory_space<vmem_shared>>
        tpu.wait_dma2 semaphore(%run_scoped3A : memref<!tpu.dma_semaphore, #tpu.memory_space<semaphore_mem>>) src(%arg12 : memref<43x128xf32, #tpu.memory_space<vmem>>) dst(%dma_wait3A_86 : memref<43x128xf32, #tpu.memory_space<vmem_shared>>)
        tpu.yield
      }) : () -> ()
      %mul3A_44 = arith.constant 516 : i32
      %mul3A_45 = arith.muli %arg1, %mul3A_44 : i32
      %add3A_46 = arith.constant 301 : i32
      %add3A_47 = arith.addi %mul3A_45, %add3A_46 : i32
      "tpu.region"() ({
        %run_scoped3A = tpu.sem_alloc : memref<!tpu.dma_semaphore, #tpu.memory_space<semaphore_mem>>
        %dma_start3A = arith.constant 0 : i32
        %dma_start3A_81 = tpu.memref_slice %arg5[%add3A_47, %dma_start3A] : memref<8256x128xf32, #tpu.memory_space<vmem_shared>> -> memref<43x128xf32, #tpu.memory_space<vmem_shared>>
        %dma_start3A_82 = arith.constant 0 : i32
        %dma_start3A_83 = tpu.memref_slice %arg5[%add3A_47, %dma_start3A_82] : memref<8256x128xf32, #tpu.memory_space<vmem_shared>> -> memref<43x128xf32, #tpu.memory_space<vmem_shared>>
        tpu.enqueue_dma source(%arg12 : memref<43x128xf32, #tpu.memory_space<vmem>>) target(%dma_start3A_83 : memref<43x128xf32, #tpu.memory_space<vmem_shared>>) target_semaphore(%run_scoped3A : memref<!tpu.dma_semaphore, #tpu.memory_space<semaphore_mem>>)
        %dma_wait3A = arith.constant 0 : i32
        %dma_wait3A_84 = tpu.memref_slice %arg5[%add3A_47, %dma_wait3A] : memref<8256x128xf32, #tpu.memory_space<vmem_shared>> -> memref<43x128xf32, #tpu.memory_space<vmem_shared>>
        %dma_wait3A_85 = arith.constant 0 : i32
        %dma_wait3A_86 = tpu.memref_slice %arg5[%add3A_47, %dma_wait3A_85] : memref<8256x128xf32, #tpu.memory_space<vmem_shared>> -> memref<43x128xf32, #tpu.memory_space<vmem_shared>>
        tpu.wait_dma2 semaphore(%run_scoped3A : memref<!tpu.dma_semaphore, #tpu.memory_space<semaphore_mem>>) src(%arg12 : memref<43x128xf32, #tpu.memory_space<vmem>>) dst(%dma_wait3A_86 : memref<43x128xf32, #tpu.memory_space<vmem_shared>>)
        tpu.yield
      }) : () -> ()
      %mul3A_48 = arith.constant 516 : i32
      %mul3A_49 = arith.muli %arg1, %mul3A_48 : i32
      %add3A_50 = arith.constant 344 : i32
      %add3A_51 = arith.addi %mul3A_49, %add3A_50 : i32
      "tpu.region"() ({
        %run_scoped3A = tpu.sem_alloc : memref<!tpu.dma_semaphore, #tpu.memory_space<semaphore_mem>>
        %dma_start3A = arith.constant 0 : i32
        %dma_start3A_81 = tpu.memref_slice %arg5[%add3A_51, %dma_start3A] : memref<8256x128xf32, #tpu.memory_space<vmem_shared>> -> memref<43x128xf32, #tpu.memory_space<vmem_shared>>
        %dma_start3A_82 = arith.constant 0 : i32
        %dma_start3A_83 = tpu.memref_slice %arg5[%add3A_51, %dma_start3A_82] : memref<8256x128xf32, #tpu.memory_space<vmem_shared>> -> memref<43x128xf32, #tpu.memory_space<vmem_shared>>
        tpu.enqueue_dma source(%arg12 : memref<43x128xf32, #tpu.memory_space<vmem>>) target(%dma_start3A_83 : memref<43x128xf32, #tpu.memory_space<vmem_shared>>) target_semaphore(%run_scoped3A : memref<!tpu.dma_semaphore, #tpu.memory_space<semaphore_mem>>)
        %dma_wait3A = arith.constant 0 : i32
        %dma_wait3A_84 = tpu.memref_slice %arg5[%add3A_51, %dma_wait3A] : memref<8256x128xf32, #tpu.memory_space<vmem_shared>> -> memref<43x128xf32, #tpu.memory_space<vmem_shared>>
        %dma_wait3A_85 = arith.constant 0 : i32
        %dma_wait3A_86 = tpu.memref_slice %arg5[%add3A_51, %dma_wait3A_85] : memref<8256x128xf32, #tpu.memory_space<vmem_shared>> -> memref<43x128xf32, #tpu.memory_space<vmem_shared>>
        tpu.wait_dma2 semaphore(%run_scoped3A : memref<!tpu.dma_semaphore, #tpu.memory_space<semaphore_mem>>) src(%arg12 : memref<43x128xf32, #tpu.memory_space<vmem>>) dst(%dma_wait3A_86 : memref<43x128xf32, #tpu.memory_space<vmem_shared>>)
        tpu.yield
      }) : () -> ()
      %mul3A_52 = arith.constant 516 : i32
      %mul3A_53 = arith.muli %arg1, %mul3A_52 : i32
      %add3A_54 = arith.constant 387 : i32
      %add3A_55 = arith.addi %mul3A_53, %add3A_54 : i32
      "tpu.region"() ({
        %run_scoped3A = tpu.sem_alloc : memref<!tpu.dma_semaphore, #tpu.memory_space<semaphore_mem>>
        %dma_start3A = arith.constant 0 : i32
        %dma_start3A_81 = tpu.memref_slice %arg5[%add3A_55, %dma_start3A] : memref<8256x128xf32, #tpu.memory_space<vmem_shared>> -> memref<43x128xf32, #tpu.memory_space<vmem_shared>>
        %dma_start3A_82 = arith.constant 0 : i32
        %dma_start3A_83 = tpu.memref_slice %arg5[%add3A_55, %dma_start3A_82] : memref<8256x128xf32, #tpu.memory_space<vmem_shared>> -> memref<43x128xf32, #tpu.memory_space<vmem_shared>>
        tpu.enqueue_dma source(%arg12 : memref<43x128xf32, #tpu.memory_space<vmem>>) target(%dma_start3A_83 : memref<43x128xf32, #tpu.memory_space<vmem_shared>>) target_semaphore(%run_scoped3A : memref<!tpu.dma_semaphore, #tpu.memory_space<semaphore_mem>>)
        %dma_wait3A = arith.constant 0 : i32
        %dma_wait3A_84 = tpu.memref_slice %arg5[%add3A_55, %dma_wait3A] : memref<8256x128xf32, #tpu.memory_space<vmem_shared>> -> memref<43x128xf32, #tpu.memory_space<vmem_shared>>
        %dma_wait3A_85 = arith.constant 0 : i32
        %dma_wait3A_86 = tpu.memref_slice %arg5[%add3A_55, %dma_wait3A_85] : memref<8256x128xf32, #tpu.memory_space<vmem_shared>> -> memref<43x128xf32, #tpu.memory_space<vmem_shared>>
        tpu.wait_dma2 semaphore(%run_scoped3A : memref<!tpu.dma_semaphore, #tpu.memory_space<semaphore_mem>>) src(%arg12 : memref<43x128xf32, #tpu.memory_space<vmem>>) dst(%dma_wait3A_86 : memref<43x128xf32, #tpu.memory_space<vmem_shared>>)
        tpu.yield
      }) : () -> ()
      %mul3A_56 = arith.constant 516 : i32
      %mul3A_57 = arith.muli %arg1, %mul3A_56 : i32
      %add3A_58 = arith.constant 430 : i32
      %add3A_59 = arith.addi %mul3A_57, %add3A_58 : i32
      "tpu.region"() ({
        %run_scoped3A = tpu.sem_alloc : memref<!tpu.dma_semaphore, #tpu.memory_space<semaphore_mem>>
        %dma_start3A = arith.constant 0 : i32
        %dma_start3A_81 = tpu.memref_slice %arg5[%add3A_59, %dma_start3A] : memref<8256x128xf32, #tpu.memory_space<vmem_shared>> -> memref<43x128xf32, #tpu.memory_space<vmem_shared>>
        %dma_start3A_82 = arith.constant 0 : i32
        %dma_start3A_83 = tpu.memref_slice %arg5[%add3A_59, %dma_start3A_82] : memref<8256x128xf32, #tpu.memory_space<vmem_shared>> -> memref<43x128xf32, #tpu.memory_space<vmem_shared>>
        tpu.enqueue_dma source(%arg12 : memref<43x128xf32, #tpu.memory_space<vmem>>) target(%dma_start3A_83 : memref<43x128xf32, #tpu.memory_space<vmem_shared>>) target_semaphore(%run_scoped3A : memref<!tpu.dma_semaphore, #tpu.memory_space<semaphore_mem>>)
        %dma_wait3A = arith.constant 0 : i32
        %dma_wait3A_84 = tpu.memref_slice %arg5[%add3A_59, %dma_wait3A] : memref<8256x128xf32, #tpu.memory_space<vmem_shared>> -> memref<43x128xf32, #tpu.memory_space<vmem_shared>>
        %dma_wait3A_85 = arith.constant 0 : i32
        %dma_wait3A_86 = tpu.memref_slice %arg5[%add3A_59, %dma_wait3A_85] : memref<8256x128xf32, #tpu.memory_space<vmem_shared>> -> memref<43x128xf32, #tpu.memory_space<vmem_shared>>
        tpu.wait_dma2 semaphore(%run_scoped3A : memref<!tpu.dma_semaphore, #tpu.memory_space<semaphore_mem>>) src(%arg12 : memref<43x128xf32, #tpu.memory_space<vmem>>) dst(%dma_wait3A_86 : memref<43x128xf32, #tpu.memory_space<vmem_shared>>)
        tpu.yield
      }) : () -> ()
      %mul3A_60 = arith.constant 516 : i32
      %mul3A_61 = arith.muli %arg1, %mul3A_60 : i32
      %add3A_62 = arith.constant 473 : i32
      %add3A_63 = arith.addi %mul3A_61, %add3A_62 : i32
      "tpu.region"() ({
        %run_scoped3A = tpu.sem_alloc : memref<!tpu.dma_semaphore, #tpu.memory_space<semaphore_mem>>
        %dma_start3A = arith.constant 0 : i32
        %dma_start3A_81 = tpu.memref_slice %arg5[%add3A_63, %dma_start3A] : memref<8256x128xf32, #tpu.memory_space<vmem_shared>> -> memref<43x128xf32, #tpu.memory_space<vmem_shared>>
        %dma_start3A_82 = arith.constant 0 : i32
        %dma_start3A_83 = tpu.memref_slice %arg5[%add3A_63, %dma_start3A_82] : memref<8256x128xf32, #tpu.memory_space<vmem_shared>> -> memref<43x128xf32, #tpu.memory_space<vmem_shared>>
        tpu.enqueue_dma source(%arg12 : memref<43x128xf32, #tpu.memory_space<vmem>>) target(%dma_start3A_83 : memref<43x128xf32, #tpu.memory_space<vmem_shared>>) target_semaphore(%run_scoped3A : memref<!tpu.dma_semaphore, #tpu.memory_space<semaphore_mem>>)
        %dma_wait3A = arith.constant 0 : i32
        %dma_wait3A_84 = tpu.memref_slice %arg5[%add3A_63, %dma_wait3A] : memref<8256x128xf32, #tpu.memory_space<vmem_shared>> -> memref<43x128xf32, #tpu.memory_space<vmem_shared>>
        %dma_wait3A_85 = arith.constant 0 : i32
        %dma_wait3A_86 = tpu.memref_slice %arg5[%add3A_63, %dma_wait3A_85] : memref<8256x128xf32, #tpu.memory_space<vmem_shared>> -> memref<43x128xf32, #tpu.memory_space<vmem_shared>>
        tpu.wait_dma2 semaphore(%run_scoped3A : memref<!tpu.dma_semaphore, #tpu.memory_space<semaphore_mem>>) src(%arg12 : memref<43x128xf32, #tpu.memory_space<vmem>>) dst(%dma_wait3A_86 : memref<43x128xf32, #tpu.memory_space<vmem_shared>>)
        tpu.yield
      }) : () -> ()
      %barrier3A = arith.constant 0 : index
      tpu.barrier barrier_id(%barrier3A)
      %scan3A_64 = arith.constant 0 : i32
      %scan3A_65 = arith.constant 0 : i32
      %scan3A_66 = arith.constant 4 : i32
      %scan3A_67 = arith.addi %scan3A_65, %scan3A_66 : i32
      %scan3A_68 = arith.constant 1 : i32
      %scan3A_69 = scf.for %scan3A_81 = %scan3A_65 to %scan3A_67 step %scan3A_68 iter_args(%scan3A_82 = %scan3A_64) -> (i32)  : i32 {
        %mul3A_83 = arith.constant 25344 : i32
        %mul3A_84 = arith.muli %arg1, %mul3A_83 : i32
        %mul3A_85 = arith.constant 6336 : i32
        %mul3A_86 = arith.muli %scan3A_81, %mul3A_85 : i32
        %add3A_87 = arith.addi %mul3A_84, %mul3A_86 : i32
        "tpu.region"() ({
          %run_scoped3A = tpu.sem_alloc : memref<!tpu.dma_semaphore, #tpu.memory_space<semaphore_mem>>
          %dma_start3A = tpu.memref_slice %arg3[%add3A_87] : memref<405504xi32, #tpu.memory_space<hbm>> -> memref<6336xi32, #tpu.memory_space<hbm>>
          %dma_start3A_138 = tpu.memref_slice %arg3[%add3A_87] : memref<405504xi32, #tpu.memory_space<hbm>> -> memref<6336xi32, #tpu.memory_space<hbm>>
          tpu.enqueue_dma source(%dma_start3A_138 : memref<6336xi32, #tpu.memory_space<hbm>>) target(%arg6 : memref<6336xi32, #tpu.memory_space<vmem>>) target_semaphore(%run_scoped3A : memref<!tpu.dma_semaphore, #tpu.memory_space<semaphore_mem>>)
          %dma_wait3A = tpu.memref_slice %arg3[%add3A_87] : memref<405504xi32, #tpu.memory_space<hbm>> -> memref<6336xi32, #tpu.memory_space<hbm>>
          %dma_wait3A_139 = tpu.memref_slice %arg3[%add3A_87] : memref<405504xi32, #tpu.memory_space<hbm>> -> memref<6336xi32, #tpu.memory_space<hbm>>
          tpu.wait_dma2 semaphore(%run_scoped3A : memref<!tpu.dma_semaphore, #tpu.memory_space<semaphore_mem>>) src(%dma_wait3A_139 : memref<6336xi32, #tpu.memory_space<hbm>>) dst(%arg6 : memref<6336xi32, #tpu.memory_space<vmem>>)
          tpu.yield
        }) : () -> ()
        %scan3A_88 = arith.constant 0 : i32
        %scan3A_89 = arith.constant 0 : i32
        %scan3A_90 = arith.constant 396 : i32
        %scan3A_91 = arith.addi %scan3A_89, %scan3A_90 : i32
        %scan3A_92 = arith.constant 1 : i32
        %scan3A_93 = scf.for %scan3A_138 = %scan3A_89 to %scan3A_91 step %scan3A_92 iter_args(%scan3A_139 = %scan3A_88) -> (i32)  : i32 {
          %mul3A_140 = arith.constant 16 : i32
          %mul3A_141 = arith.muli %scan3A_138, %mul3A_140 : i32
          %get3A = arith.index_cast %mul3A_141 : i32 to index
          %get3A_142 = tpu.vector_load %arg6[%get3A] {strides = array<i32>} : memref<6336xi32, #tpu.memory_space<vmem>>, vector<16xi32>,
          %shift_right_arithmetic3A_143 = arith.constant 13 : i32
          %shift_right_arithmetic3A_144 = vector.broadcast %shift_right_arithmetic3A_143 : i32 to vector<16xi32>
          %shift_right_arithmetic3A_145 = arith.shrsi %get3A_142, %shift_right_arithmetic3A_144 : vector<16xi32>
          %eq3A = vector.broadcast %add3A : i32 to vector<16xi32>
          %eq3A_146 = arith.cmpi eq, %shift_right_arithmetic3A_145, %eq3A : vector<16xi32>
          %and3A = arith.constant 8191 : i32
          %and3A_147 = vector.broadcast %and3A : i32 to vector<16xi32>
          %and3A_148 = arith.andi %get3A_142, %and3A_147 : vector<16xi32>
          %mul3A_149 = arith.constant 16 : i32
          %mul3A_150 = arith.muli %scan3A_138, %mul3A_149 : i32
          %add3A_151 = arith.addi %add3A_87, %mul3A_150 : i32
          %add3A_152 = vector.broadcast %add3A_151 : i32 to vector<16xi32>
          %add3A_153 = arith.addi %add3A_152, %iota3A : vector<16xi32>
          %convert_element_type3A = arith.extui %eq3A_146 : vector<16xi1> to vector<16xi32>
          %broadcast_in_dim3A = arith.constant true
          %broadcast_in_dim3A_154 = vector.broadcast %broadcast_in_dim3A : i1 to vector<16xi1>
          %masked_cumsum3A = tpu.scan <sum>, %convert_element_type3A masked %broadcast_in_dim3A_154 : vector<16xi32>, vector<16xi1> -> vector<16xi32>
          %add3A_155 = vector.broadcast %scan3A_139 : i32 to vector<16xi32>
          %add3A_156 = arith.addi %add3A_155, %masked_cumsum3A : vector<16xi32>
          %sub3A_157 = arith.subi %add3A_156, %convert_element_type3A : vector<16xi32>
          tpu.vector_store_idx %arg8[%sub3A_157], %and3A_148 masked %eq3A_146 : memref<6400xi32, #tpu.memory_space<vmem>>[vector<16xi32>], vector<16xi32>, vector<16xi1>
          tpu.vector_store_idx %arg7[%sub3A_157], %add3A_153 masked %eq3A_146 : memref<6400xi32, #tpu.memory_space<vmem>>[vector<16xi32>], vector<16xi32>, vector<16xi1>
          %reduce_sum3A = arith.constant true
          %reduce_sum3A_158 = vector.broadcast %reduce_sum3A : i1 to vector<16xi1>
          %reduce_sum3A_159 = tpu.scan <sum>, %convert_element_type3A masked %reduce_sum3A_158 : vector<16xi32>, vector<16xi1> -> vector<16xi32>
          %reduce_sum3A_160 = vector.extract %reduce_sum3A_159[15] : i32 from vector<16xi32>
          %add3A_161 = arith.addi %scan3A_139, %reduce_sum3A_160 : i32
          scf.yield %add3A_161 : i32
        }
        %scan3A_94 = arith.constant 396 : i32
        %scan3A_95 = arith.constant 0 : i32
        %scan3A_96 = arith.constant 4 : i32
        %scan3A_97 = arith.addi %scan3A_95, %scan3A_96 : i32
        %scan3A_98 = arith.constant 1 : i32
        %scan3A_99 = scf.for %scan3A_138 = %scan3A_95 to %scan3A_97 step %scan3A_98 iter_args(%scan3A_139 = %scan3A_93) -> (i32)  : i32 {
          %add3A_140 = vector.broadcast %scan3A_139 : i32 to vector<16xi32>
          %add3A_141 = arith.addi %add3A_140, %iota3A : vector<16xi32>
          %mul3A_142 = arith.constant 16 : i32
          %mul3A_143 = arith.muli %scan3A_138, %mul3A_142 : i32
          %add3A_144 = vector.broadcast %mul3A_143 : i32 to vector<16xi32>
          %add3A_145 = arith.addi %add3A_144, %iota3A : vector<16xi32>
          %and3A = arith.constant 63 : i32
          %and3A_146 = vector.broadcast %and3A : i32 to vector<16xi32>
          %and3A_147 = arith.andi %add3A_145, %and3A_146 : vector<16xi32>
          %add3A_148 = arith.constant 8192 : i32
          %add3A_149 = vector.broadcast %add3A_148 : i32 to vector<16xi32>
          %add3A_150 = arith.addi %add3A_149, %and3A_147 : vector<16xi32>
          tpu.vector_store_idx %arg8[%add3A_141], %add3A_150 : memref<6400xi32, #tpu.memory_space<vmem>>[vector<16xi32>], vector<16xi32>,
          %mul3A_151 = arith.constant 16 : i32
          %mul3A_152 = arith.muli %scan3A_138, %mul3A_151 : i32
          %add3A_153 = vector.broadcast %mul3A_152 : i32 to vector<16xi32>
          %add3A_154 = arith.addi %add3A_153, %iota3A : vector<16xi32>
          tpu.vector_store_idx %arg7[%add3A_141], %add3A_154 : memref<6400xi32, #tpu.memory_space<vmem>>[vector<16xi32>], vector<16xi32>,
          %add3A_155 = arith.constant 16 : i32
          %add3A_156 = arith.addi %scan3A_139, %add3A_155 : i32
          scf.yield %add3A_156 : i32
        }
        %scan3A_100 = arith.constant 4 : i32
        %add3A_101 = arith.constant 64 : i32
        %add3A_102 = arith.addi %scan3A_93, %add3A_101 : i32
        %sub3A = arith.constant 1 : i32
        %sub3A_103 = arith.subi %add3A_102, %sub3A : i32
        %shift_right_arithmetic3A = arith.constant 6 : i32
        %shift_right_arithmetic3A_104 = arith.shrsi %sub3A_103, %shift_right_arithmetic3A : i32
        %scan3A_105 = arith.constant 0 : i32
        %scan3A_106 = arith.constant 0 : i32
        %scan3A_107 = arith.constant 2 : i32
        %scan3A_108 = arith.addi %scan3A_106, %scan3A_107 : i32
        %scan3A_109 = arith.constant 1 : i32
        %scan3A_110 = scf.for %scan3A_138 = %scan3A_106 to %scan3A_108 step %scan3A_109 iter_args(%scan3A_139 = %scan3A_105) -> (i32)  : i32 {
          %lt3A = arith.cmpi slt, %scan3A_138, %shift_right_arithmetic3A_104 : i32
          %convert_element_type3A = arith.extui %lt3A : i1 to i32
          %cond3A = arith.constant 0 : i32
          %cond3A_140 = arith.cmpi ne, %convert_element_type3A, %cond3A : i32
          scf.if %cond3A_140 {
            %rem3A = arith.constant 4 : i32
            %rem3A_142 = arith.remsi %scan3A_138, %rem3A : i32
            %mul3A_143 = arith.constant 64 : i32
            %mul3A_144 = arith.muli %scan3A_138, %mul3A_143 : i32
            %add3A_145 = arith.constant 0 : i32
            %add3A_146 = arith.addi %mul3A_144, %add3A_145 : i32
            %get3A = arith.index_cast %add3A_146 : i32 to index
            %get3A_147 = tpu.vector_load %arg7[%get3A] {strides = array<i32>} : memref<6400xi32, #tpu.memory_space<vmem>>, vector<16xi32>,
            %swap3A = arith.index_cast %rem3A_142 : i32 to index
            %swap3A_148 = arith.constant 0 : index
            %swap3A_149 = tpu.vector_load %arg9[%swap3A, %swap3A_148] {strides = array<i32>} : memref<4x64xi32, #tpu.memory_space<vmem>>, vector<16xi32>,
            tpu.vector_store %arg9[%swap3A, %swap3A_148], %get3A_147 {strides = array<i32>} : memref<4x64xi32, #tpu.memory_space<vmem>>, vector<16xi32>,
            %mul3A_150 = arith.constant 64 : i32
            %mul3A_151 = arith.muli %scan3A_138, %mul3A_150 : i32
            %add3A_152 = arith.constant 16 : i32
            %add3A_153 = arith.addi %mul3A_151, %add3A_152 : i32
            %get3A_154 = arith.index_cast %add3A_153 : i32 to index
            %get3A_155 = tpu.vector_load %arg7[%get3A_154] {strides = array<i32>} : memref<6400xi32, #tpu.memory_space<vmem>>, vector<16xi32>,
            %swap3A_156 = arith.index_cast %rem3A_142 : i32 to index
            %swap3A_157 = arith.constant 16 : index
            %swap3A_158 = tpu.vector_load %arg9[%swap3A_156, %swap3A_157] {strides = array<i32>} : memref<4x64xi32, #tpu.memory_space<vmem>>, vector<16xi32>,
            tpu.vector_store %arg9[%swap3A_156, %swap3A_157], %get3A_155 {strides = array<i32>} : memref<4x64xi32, #tpu.memory_space<vmem>>, vector<16xi32>,
            %mul3A_159 = arith.constant 64 : i32
            %mul3A_160 = arith.muli %scan3A_138, %mul3A_159 : i32
            %add3A_161 = arith.constant 32 : i32
            %add3A_162 = arith.addi %mul3A_160, %add3A_161 : i32
            %get3A_163 = arith.index_cast %add3A_162 : i32 to index
            %get3A_164 = tpu.vector_load %arg7[%get3A_163] {strides = array<i32>} : memref<6400xi32, #tpu.memory_space<vmem>>, vector<16xi32>,
            %swap3A_165 = arith.index_cast %rem3A_142 : i32 to index
            %swap3A_166 = arith.constant 32 : index
            %swap3A_167 = tpu.vector_load %arg9[%swap3A_165, %swap3A_166] {strides = array<i32>} : memref<4x64xi32, #tpu.memory_space<vmem>>, vector<16xi32>,
            tpu.vector_store %arg9[%swap3A_165, %swap3A_166], %get3A_164 {strides = array<i32>} : memref<4x64xi32, #tpu.memory_space<vmem>>, vector<16xi32>,
            %mul3A_168 = arith.constant 64 : i32
            %mul3A_169 = arith.muli %scan3A_138, %mul3A_168 : i32
            %add3A_170 = arith.constant 48 : i32
            %add3A_171 = arith.addi %mul3A_169, %add3A_170 : i32
            %get3A_172 = arith.index_cast %add3A_171 : i32 to index
            %get3A_173 = tpu.vector_load %arg7[%get3A_172] {strides = array<i32>} : memref<6400xi32, #tpu.memory_space<vmem>>, vector<16xi32>,
            %swap3A_174 = arith.index_cast %rem3A_142 : i32 to index
            %swap3A_175 = arith.constant 48 : index
            %swap3A_176 = tpu.vector_load %arg9[%swap3A_174, %swap3A_175] {strides = array<i32>} : memref<4x64xi32, #tpu.memory_space<vmem>>, vector<16xi32>,
            tpu.vector_store %arg9[%swap3A_174, %swap3A_175], %get3A_173 {strides = array<i32>} : memref<4x64xi32, #tpu.memory_space<vmem>>, vector<16xi32>,
            %dma_start3A = arith.constant 0 : i32
            %dma_start3A_177 = arith.constant 0 : i32
            %dma_start3A_178 = tpu.memref_slice %arg11[%rem3A_142, %dma_start3A, %dma_start3A_177] : memref<4x64x128xf32, #tpu.memory_space<vmem>> -> memref<1x64x128xf32, #tpu.memory_space<vmem>>
            %dma_start3A_179 = tpu.memref_squeeze %dma_start3A_178 : memref<1x64x128xf32, #tpu.memory_space<vmem>> -> memref<64x128xf32, #tpu.memory_space<vmem>>
            %dma_start3A_180 = arith.constant 0 : i32
            %dma_start3A_181 = tpu.memref_slice %arg9[%rem3A_142, %dma_start3A_180] : memref<4x64xi32, #tpu.memory_space<vmem>> -> memref<1x64xi32, #tpu.memory_space<vmem>>
            %dma_start3A_182 = tpu.memref_squeeze %dma_start3A_181 : memref<1x64xi32, #tpu.memory_space<vmem>> -> memref<64xi32, #tpu.memory_space<vmem>>
            %dma_start3A_183 = arith.constant 0 : i32
            %dma_start3A_184 = arith.constant 0 : i32
            %dma_start3A_185 = tpu.memref_slice %arg2[%dma_start3A_183, %dma_start3A_184] : memref<405504x128xf32, #tpu.memory_space<hbm>> -> memref<405504x128xf32, #tpu.memory_space<hbm>>
            tpu.enqueue_indirect_dma source(%dma_start3A_185 : memref<405504x128xf32, #tpu.memory_space<hbm>>) target(%dma_start3A_179 : memref<64x128xf32, #tpu.memory_space<vmem>>) offsets(%dma_start3A_182 : memref<64xi32, #tpu.memory_space<vmem>>) semaphore(%arg13 : memref<!tpu.dma_semaphore, #tpu.memory_space<semaphore_mem>>)
          } else {
          }
          %scan3A_141 = arith.constant 0 : i32
          scf.yield %scan3A_141 : i32
        }
        %scan3A_111 = arith.constant 2 : i32
        %while3A = arith.constant 0 : i32
        %while3A_112 = arith.constant 0 : i32
        %while3A_113 = arith.subi %shift_right_arithmetic3A_104, %while3A : i32
        %while3A_114 = arith.addi %while3A, %while3A_113 : i32
        %while3A_115 = arith.constant 1 : i32
        %while3A_116 = arith.divsi %while3A_113, %while3A_115 : i32
        %while3A_117 = arith.muli %while3A_116, %while3A_115 : i32
        %while3A_118 = arith.addi %while3A, %while3A_117 : i32
        %while3A_119 = arith.constant 1 : i32
        %while3A_120 = scf.for %while3A_138 = %while3A to %while3A_118 step %while3A_119 iter_args(%while3A_139 = %while3A_112) -> (i32)  : i32 {
          %rem3A = arith.constant 4 : i32
          %rem3A_140 = arith.remsi %while3A_138, %rem3A : i32
          %ge3A = arith.constant 2 : i32
          %ge3A_141 = arith.cmpi sge, %while3A_138, %ge3A : i32
          %convert_element_type3A = arith.extui %ge3A_141 : i1 to i32
          %cond3A = arith.constant 0 : i32
          %cond3A_142 = arith.cmpi ne, %convert_element_type3A, %cond3A : i32
          scf.if %cond3A_142 {
            %sub3A_205 = arith.constant 2 : i32
            %sub3A_206 = arith.subi %while3A_138, %sub3A_205 : i32
            %rem3A_207 = arith.constant 4 : i32
            %rem3A_208 = arith.remsi %sub3A_206, %rem3A_207 : i32
            %dma_wait3A_209 = arith.constant 0 : i32
            %dma_wait3A_210 = arith.constant 0 : i32
            %dma_wait3A_211 = tpu.memref_slice %arg11[%rem3A_208, %dma_wait3A_209, %dma_wait3A_210] : memref<4x64x128xf32, #tpu.memory_space<vmem>> -> memref<1x64x128xf32, #tpu.memory_space<vmem>>
            %dma_wait3A_212 = tpu.memref_squeeze %dma_wait3A_211 : memref<1x64x128xf32, #tpu.memory_space<vmem>> -> memref<64x128xf32, #tpu.memory_space<vmem>>
            %dma_wait3A_213 = arith.constant 0 : i32
            %dma_wait3A_214 = tpu.memref_slice %arg10[%rem3A_208, %dma_wait3A_213] : memref<4x64xi32, #tpu.memory_space<vmem>> -> memref<1x64xi32, #tpu.memory_space<vmem>>
            %dma_wait3A_215 = tpu.memref_squeeze %dma_wait3A_214 : memref<1x64xi32, #tpu.memory_space<vmem>> -> memref<64xi32, #tpu.memory_space<vmem>>
            %dma_wait3A_216 = arith.constant 0 : i32
            %dma_wait3A_217 = arith.constant 0 : i32
            %dma_wait3A_218 = tpu.memref_slice %arg5[%dma_wait3A_216, %dma_wait3A_217] : memref<8256x128xf32, #tpu.memory_space<vmem_shared>> -> memref<8256x128xf32, #tpu.memory_space<vmem_shared>>
            tpu.wait_indirect_dma semaphore(%arg14 : memref<!tpu.dma_semaphore, #tpu.memory_space<semaphore_mem>>) src(%dma_wait3A_212 : memref<64x128xf32, #tpu.memory_space<vmem>>) dst(%dma_wait3A_218 : memref<8256x128xf32, #tpu.memory_space<vmem_shared>>)
          } else {
          }
          %add3A_143 = arith.constant 2 : i32
          %add3A_144 = arith.addi %while3A_138, %add3A_143 : i32
          %lt3A = arith.cmpi slt, %add3A_144, %shift_right_arithmetic3A_104 : i32
          %convert_element_type3A_145 = arith.extui %lt3A : i1 to i32
          %cond3A_146 = arith.constant 0 : i32
          %cond3A_147 = arith.cmpi ne, %convert_element_type3A_145, %cond3A_146 : i32
          scf.if %cond3A_147 {
            %add3A_205 = arith.constant 2 : i32
            %add3A_206 = arith.addi %while3A_138, %add3A_205 : i32
            %rem3A_207 = arith.constant 4 : i32
            %rem3A_208 = arith.remsi %add3A_206, %rem3A_207 : i32
            %mul3A_209 = arith.constant 64 : i32
            %mul3A_210 = arith.muli %add3A_206, %mul3A_209 : i32
            %add3A_211 = arith.constant 0 : i32
            %add3A_212 = arith.addi %mul3A_210, %add3A_211 : i32
            %get3A_213 = arith.index_cast %add3A_212 : i32 to index
            %get3A_214 = tpu.vector_load %arg7[%get3A_213] {strides = array<i32>} : memref<6400xi32, #tpu.memory_space<vmem>>, vector<16xi32>,
            %swap3A_215 = arith.index_cast %rem3A_208 : i32 to index
            %swap3A_216 = arith.constant 0 : index
            %swap3A_217 = tpu.vector_load %arg9[%swap3A_215, %swap3A_216] {strides = array<i32>} : memref<4x64xi32, #tpu.memory_space<vmem>>, vector<16xi32>,
            tpu.vector_store %arg9[%swap3A_215, %swap3A_216], %get3A_214 {strides = array<i32>} : memref<4x64xi32, #tpu.memory_space<vmem>>, vector<16xi32>,
            %mul3A_218 = arith.constant 64 : i32
            %mul3A_219 = arith.muli %add3A_206, %mul3A_218 : i32
            %add3A_220 = arith.constant 16 : i32
            %add3A_221 = arith.addi %mul3A_219, %add3A_220 : i32
            %get3A_222 = arith.index_cast %add3A_221 : i32 to index
            %get3A_223 = tpu.vector_load %arg7[%get3A_222] {strides = array<i32>} : memref<6400xi32, #tpu.memory_space<vmem>>, vector<16xi32>,
            %swap3A_224 = arith.index_cast %rem3A_208 : i32 to index
            %swap3A_225 = arith.constant 16 : index
            %swap3A_226 = tpu.vector_load %arg9[%swap3A_224, %swap3A_225] {strides = array<i32>} : memref<4x64xi32, #tpu.memory_space<vmem>>, vector<16xi32>,
            tpu.vector_store %arg9[%swap3A_224, %swap3A_225], %get3A_223 {strides = array<i32>} : memref<4x64xi32, #tpu.memory_space<vmem>>, vector<16xi32>,
            %mul3A_227 = arith.constant 64 : i32
            %mul3A_228 = arith.muli %add3A_206, %mul3A_227 : i32
            %add3A_229 = arith.constant 32 : i32
            %add3A_230 = arith.addi %mul3A_228, %add3A_229 : i32
            %get3A_231 = arith.index_cast %add3A_230 : i32 to index
            %get3A_232 = tpu.vector_load %arg7[%get3A_231] {strides = array<i32>} : memref<6400xi32, #tpu.memory_space<vmem>>, vector<16xi32>,
            %swap3A_233 = arith.index_cast %rem3A_208 : i32 to index
            %swap3A_234 = arith.constant 32 : index
            %swap3A_235 = tpu.vector_load %arg9[%swap3A_233, %swap3A_234] {strides = array<i32>} : memref<4x64xi32, #tpu.memory_space<vmem>>, vector<16xi32>,
            tpu.vector_store %arg9[%swap3A_233, %swap3A_234], %get3A_232 {strides = array<i32>} : memref<4x64xi32, #tpu.memory_space<vmem>>, vector<16xi32>,
            %mul3A_236 = arith.constant 64 : i32
            %mul3A_237 = arith.muli %add3A_206, %mul3A_236 : i32
            %add3A_238 = arith.constant 48 : i32
            %add3A_239 = arith.addi %mul3A_237, %add3A_238 : i32
            %get3A_240 = arith.index_cast %add3A_239 : i32 to index
            %get3A_241 = tpu.vector_load %arg7[%get3A_240] {strides = array<i32>} : memref<6400xi32, #tpu.memory_space<vmem>>, vector<16xi32>,
            %swap3A_242 = arith.index_cast %rem3A_208 : i32 to index
            %swap3A_243 = arith.constant 48 : index
            %swap3A_244 = tpu.vector_load %arg9[%swap3A_242, %swap3A_243] {strides = array<i32>} : memref<4x64xi32, #tpu.memory_space<vmem>>, vector<16xi32>,
            tpu.vector_store %arg9[%swap3A_242, %swap3A_243], %get3A_241 {strides = array<i32>} : memref<4x64xi32, #tpu.memory_space<vmem>>, vector<16xi32>,
            %dma_start3A_245 = arith.constant 0 : i32
            %dma_start3A_246 = arith.constant 0 : i32
            %dma_start3A_247 = tpu.memref_slice %arg11[%rem3A_208, %dma_start3A_245, %dma_start3A_246] : memref<4x64x128xf32, #tpu.memory_space<vmem>> -> memref<1x64x128xf32, #tpu.memory_space<vmem>>
            %dma_start3A_248 = tpu.memref_squeeze %dma_start3A_247 : memref<1x64x128xf32, #tpu.memory_space<vmem>> -> memref<64x128xf32, #tpu.memory_space<vmem>>
            %dma_start3A_249 = arith.constant 0 : i32
            %dma_start3A_250 = tpu.memref_slice %arg9[%rem3A_208, %dma_start3A_249] : memref<4x64xi32, #tpu.memory_space<vmem>> -> memref<1x64xi32, #tpu.memory_space<vmem>>
            %dma_start3A_251 = tpu.memref_squeeze %dma_start3A_250 : memref<1x64xi32, #tpu.memory_space<vmem>> -> memref<64xi32, #tpu.memory_space<vmem>>
            %dma_start3A_252 = arith.constant 0 : i32
            %dma_start3A_253 = arith.constant 0 : i32
            %dma_start3A_254 = tpu.memref_slice %arg2[%dma_start3A_252, %dma_start3A_253] : memref<405504x128xf32, #tpu.memory_space<hbm>> -> memref<405504x128xf32, #tpu.memory_space<hbm>>
            tpu.enqueue_indirect_dma source(%dma_start3A_254 : memref<405504x128xf32, #tpu.memory_space<hbm>>) target(%dma_start3A_248 : memref<64x128xf32, #tpu.memory_space<vmem>>) offsets(%dma_start3A_251 : memref<64xi32, #tpu.memory_space<vmem>>) semaphore(%arg13 : memref<!tpu.dma_semaphore, #tpu.memory_space<semaphore_mem>>)
          } else {
          }
          %dma_wait3A = arith.constant 0 : i32
          %dma_wait3A_148 = arith.constant 0 : i32
          %dma_wait3A_149 = tpu.memref_slice %arg11[%rem3A_140, %dma_wait3A, %dma_wait3A_148] : memref<4x64x128xf32, #tpu.memory_space<vmem>> -> memref<1x64x128xf32, #tpu.memory_space<vmem>>
          %dma_wait3A_150 = tpu.memref_squeeze %dma_wait3A_149 : memref<1x64x128xf32, #tpu.memory_space<vmem>> -> memref<64x128xf32, #tpu.memory_space<vmem>>
          %dma_wait3A_151 = arith.constant 0 : i32
          %dma_wait3A_152 = arith.constant 0 : i32
          %dma_wait3A_153 = tpu.memref_slice %arg2[%dma_wait3A_151, %dma_wait3A_152] : memref<405504x128xf32, #tpu.memory_space<hbm>> -> memref<64x128xf32, #tpu.memory_space<hbm>>
          %dma_wait3A_154 = arith.constant 0 : i32
          %dma_wait3A_155 = arith.constant 0 : i32
          %dma_wait3A_156 = tpu.memref_slice %arg11[%rem3A_140, %dma_wait3A_154, %dma_wait3A_155] : memref<4x64x128xf32, #tpu.memory_space<vmem>> -> memref<1x64x128xf32, #tpu.memory_space<vmem>>
          %dma_wait3A_157 = tpu.memref_squeeze %dma_wait3A_156 : memref<1x64x128xf32, #tpu.memory_space<vmem>> -> memref<64x128xf32, #tpu.memory_space<vmem>>
          %dma_wait3A_158 = arith.constant 0 : i32
          %dma_wait3A_159 = arith.constant 0 : i32
          %dma_wait3A_160 = tpu.memref_slice %arg2[%dma_wait3A_158, %dma_wait3A_159] : memref<405504x128xf32, #tpu.memory_space<hbm>> -> memref<64x128xf32, #tpu.memory_space<hbm>>
          tpu.wait_dma2 semaphore(%arg13 : memref<!tpu.dma_semaphore, #tpu.memory_space<semaphore_mem>>) src(%dma_wait3A_160 : memref<64x128xf32, #tpu.memory_space<hbm>>) dst(%dma_wait3A_157 : memref<64x128xf32, #tpu.memory_space<vmem>>)
          %mul3A_161 = arith.constant 64 : i32
          %mul3A_162 = arith.muli %while3A_138, %mul3A_161 : i32
          %add3A_163 = arith.constant 0 : i32
          %add3A_164 = arith.addi %mul3A_162, %add3A_163 : i32
          %get3A = arith.index_cast %add3A_164 : i32 to index
          %get3A_165 = tpu.vector_load %arg8[%get3A] {strides = array<i32>} : memref<6400xi32, #tpu.memory_space<vmem>>, vector<16xi32>,
          %swap3A = arith.index_cast %rem3A_140 : i32 to index
          %swap3A_166 = arith.constant 0 : index
          %swap3A_167 = tpu.vector_load %arg10[%swap3A, %swap3A_166] {strides = array<i32>} : memref<4x64xi32, #tpu.memory_space<vmem>>, vector<16xi32>,
          tpu.vector_store %arg10[%swap3A, %swap3A_166], %get3A_165 {strides = array<i32>} : memref<4x64xi32, #tpu.memory_space<vmem>>, vector<16xi32>,
          %mul3A_168 = arith.constant 64 : i32
          %mul3A_169 = arith.muli %while3A_138, %mul3A_168 : i32
          %add3A_170 = arith.constant 16 : i32
          %add3A_171 = arith.addi %mul3A_169, %add3A_170 : i32
          %get3A_172 = arith.index_cast %add3A_171 : i32 to index
          %get3A_173 = tpu.vector_load %arg8[%get3A_172] {strides = array<i32>} : memref<6400xi32, #tpu.memory_space<vmem>>, vector<16xi32>,
          %swap3A_174 = arith.index_cast %rem3A_140 : i32 to index
          %swap3A_175 = arith.constant 16 : index
          %swap3A_176 = tpu.vector_load %arg10[%swap3A_174, %swap3A_175] {strides = array<i32>} : memref<4x64xi32, #tpu.memory_space<vmem>>, vector<16xi32>,
          tpu.vector_store %arg10[%swap3A_174, %swap3A_175], %get3A_173 {strides = array<i32>} : memref<4x64xi32, #tpu.memory_space<vmem>>, vector<16xi32>,
          %mul3A_177 = arith.constant 64 : i32
          %mul3A_178 = arith.muli %while3A_138, %mul3A_177 : i32
          %add3A_179 = arith.constant 32 : i32
          %add3A_180 = arith.addi %mul3A_178, %add3A_179 : i32
          %get3A_181 = arith.index_cast %add3A_180 : i32 to index
          %get3A_182 = tpu.vector_load %arg8[%get3A_181] {strides = array<i32>} : memref<6400xi32, #tpu.memory_space<vmem>>, vector<16xi32>,
          %swap3A_183 = arith.index_cast %rem3A_140 : i32 to index
          %swap3A_184 = arith.constant 32 : index
          %swap3A_185 = tpu.vector_load %arg10[%swap3A_183, %swap3A_184] {strides = array<i32>} : memref<4x64xi32, #tpu.memory_space<vmem>>, vector<16xi32>,
          tpu.vector_store %arg10[%swap3A_183, %swap3A_184], %get3A_182 {strides = array<i32>} : memref<4x64xi32, #tpu.memory_space<vmem>>, vector<16xi32>,
          %mul3A_186 = arith.constant 64 : i32
          %mul3A_187 = arith.muli %while3A_138, %mul3A_186 : i32
          %add3A_188 = arith.constant 48 : i32
          %add3A_189 = arith.addi %mul3A_187, %add3A_188 : i32
          %get3A_190 = arith.index_cast %add3A_189 : i32 to index
          %get3A_191 = tpu.vector_load %arg8[%get3A_190] {strides = array<i32>} : memref<6400xi32, #tpu.memory_space<vmem>>, vector<16xi32>,
          %swap3A_192 = arith.index_cast %rem3A_140 : i32 to index
          %swap3A_193 = arith.constant 48 : index
          %swap3A_194 = tpu.vector_load %arg10[%swap3A_192, %swap3A_193] {strides = array<i32>} : memref<4x64xi32, #tpu.memory_space<vmem>>, vector<16xi32>,
          tpu.vector_store %arg10[%swap3A_192, %swap3A_193], %get3A_191 {strides = array<i32>} : memref<4x64xi32, #tpu.memory_space<vmem>>, vector<16xi32>,
          %dma_start3A = arith.constant 0 : i32
          %dma_start3A_195 = arith.constant 0 : i32
          %dma_start3A_196 = tpu.memref_slice %arg11[%rem3A_140, %dma_start3A, %dma_start3A_195] : memref<4x64x128xf32, #tpu.memory_space<vmem>> -> memref<1x64x128xf32, #tpu.memory_space<vmem>>
          %dma_start3A_197 = tpu.memref_squeeze %dma_start3A_196 : memref<1x64x128xf32, #tpu.memory_space<vmem>> -> memref<64x128xf32, #tpu.memory_space<vmem>>
          %dma_start3A_198 = arith.constant 0 : i32
          %dma_start3A_199 = tpu.memref_slice %arg10[%rem3A_140, %dma_start3A_198] : memref<4x64xi32, #tpu.memory_space<vmem>> -> memref<1x64xi32, #tpu.memory_space<vmem>>
          %dma_start3A_200 = tpu.memref_squeeze %dma_start3A_199 : memref<1x64xi32, #tpu.memory_space<vmem>> -> memref<64xi32, #tpu.memory_space<vmem>>
          %dma_start3A_201 = arith.constant 0 : i32
          %dma_start3A_202 = arith.constant 0 : i32
          %dma_start3A_203 = tpu.memref_slice %arg5[%dma_start3A_201, %dma_start3A_202] : memref<8256x128xf32, #tpu.memory_space<vmem_shared>> -> memref<8256x128xf32, #tpu.memory_space<vmem_shared>>
          tpu.enqueue_indirect_dma source(%dma_start3A_197 : memref<64x128xf32, #tpu.memory_space<vmem>>) target(%dma_start3A_203 : memref<8256x128xf32, #tpu.memory_space<vmem_shared>>) offsets(%dma_start3A_200 : memref<64xi32, #tpu.memory_space<vmem>>) semaphore(%arg14 : memref<!tpu.dma_semaphore, #tpu.memory_space<semaphore_mem>>) {add = true}
          %while3A_204 = arith.constant 0 : i32
          scf.yield %while3A_204 : i32
        }
        %while3A_121 = arith.constant 1 : i32
        %while3A_122 = scf.for %while3A_138 = %while3A_118 to %while3A_114 step %while3A_121 iter_args(%while3A_139 = %while3A_120) -> (i32)  : i32 {
          %rem3A = arith.constant 4 : i32
          %rem3A_140 = arith.remsi %while3A_138, %rem3A : i32
          %ge3A = arith.constant 2 : i32
          %ge3A_141 = arith.cmpi sge, %while3A_138, %ge3A : i32
          %convert_element_type3A = arith.extui %ge3A_141 : i1 to i32
          %cond3A = arith.constant 0 : i32
          %cond3A_142 = arith.cmpi ne, %convert_element_type3A, %cond3A : i32
          scf.if %cond3A_142 {
            %sub3A_205 = arith.constant 2 : i32
            %sub3A_206 = arith.subi %while3A_138, %sub3A_205 : i32
            %rem3A_207 = arith.constant 4 : i32
            %rem3A_208 = arith.remsi %sub3A_206, %rem3A_207 : i32
            %dma_wait3A_209 = arith.constant 0 : i32
            %dma_wait3A_210 = arith.constant 0 : i32
            %dma_wait3A_211 = tpu.memref_slice %arg11[%rem3A_208, %dma_wait3A_209, %dma_wait3A_210] : memref<4x64x128xf32, #tpu.memory_space<vmem>> -> memref<1x64x128xf32, #tpu.memory_space<vmem>>
            %dma_wait3A_212 = tpu.memref_squeeze %dma_wait3A_211 : memref<1x64x128xf32, #tpu.memory_space<vmem>> -> memref<64x128xf32, #tpu.memory_space<vmem>>
            %dma_wait3A_213 = arith.constant 0 : i32
            %dma_wait3A_214 = tpu.memref_slice %arg10[%rem3A_208, %dma_wait3A_213] : memref<4x64xi32, #tpu.memory_space<vmem>> -> memref<1x64xi32, #tpu.memory_space<vmem>>
            %dma_wait3A_215 = tpu.memref_squeeze %dma_wait3A_214 : memref<1x64xi32, #tpu.memory_space<vmem>> -> memref<64xi32, #tpu.memory_space<vmem>>
            %dma_wait3A_216 = arith.constant 0 : i32
            %dma_wait3A_217 = arith.constant 0 : i32
            %dma_wait3A_218 = tpu.memref_slice %arg5[%dma_wait3A_216, %dma_wait3A_217] : memref<8256x128xf32, #tpu.memory_space<vmem_shared>> -> memref<8256x128xf32, #tpu.memory_space<vmem_shared>>
            tpu.wait_indirect_dma semaphore(%arg14 : memref<!tpu.dma_semaphore, #tpu.memory_space<semaphore_mem>>) src(%dma_wait3A_212 : memref<64x128xf32, #tpu.memory_space<vmem>>) dst(%dma_wait3A_218 : memref<8256x128xf32, #tpu.memory_space<vmem_shared>>)
          } else {
          }
          %add3A_143 = arith.constant 2 : i32
          %add3A_144 = arith.addi %while3A_138, %add3A_143 : i32
          %lt3A = arith.cmpi slt, %add3A_144, %shift_right_arithmetic3A_104 : i32
          %convert_element_type3A_145 = arith.extui %lt3A : i1 to i32
          %cond3A_146 = arith.constant 0 : i32
          %cond3A_147 = arith.cmpi ne, %convert_element_type3A_145, %cond3A_146 : i32
          scf.if %cond3A_147 {
            %add3A_205 = arith.constant 2 : i32
            %add3A_206 = arith.addi %while3A_138, %add3A_205 : i32
            %rem3A_207 = arith.constant 4 : i32
            %rem3A_208 = arith.remsi %add3A_206, %rem3A_207 : i32
            %mul3A_209 = arith.constant 64 : i32
            %mul3A_210 = arith.muli %add3A_206, %mul3A_209 : i32
            %add3A_211 = arith.constant 0 : i32
            %add3A_212 = arith.addi %mul3A_210, %add3A_211 : i32
            %get3A_213 = arith.index_cast %add3A_212 : i32 to index
            %get3A_214 = tpu.vector_load %arg7[%get3A_213] {strides = array<i32>} : memref<6400xi32, #tpu.memory_space<vmem>>, vector<16xi32>,
            %swap3A_215 = arith.index_cast %rem3A_208 : i32 to index
            %swap3A_216 = arith.constant 0 : index
            %swap3A_217 = tpu.vector_load %arg9[%swap3A_215, %swap3A_216] {strides = array<i32>} : memref<4x64xi32, #tpu.memory_space<vmem>>, vector<16xi32>,
            tpu.vector_store %arg9[%swap3A_215, %swap3A_216], %get3A_214 {strides = array<i32>} : memref<4x64xi32, #tpu.memory_space<vmem>>, vector<16xi32>,
            %mul3A_218 = arith.constant 64 : i32
            %mul3A_219 = arith.muli %add3A_206, %mul3A_218 : i32
            %add3A_220 = arith.constant 16 : i32
            %add3A_221 = arith.addi %mul3A_219, %add3A_220 : i32
            %get3A_222 = arith.index_cast %add3A_221 : i32 to index
            %get3A_223 = tpu.vector_load %arg7[%get3A_222] {strides = array<i32>} : memref<6400xi32, #tpu.memory_space<vmem>>, vector<16xi32>,
            %swap3A_224 = arith.index_cast %rem3A_208 : i32 to index
            %swap3A_225 = arith.constant 16 : index
            %swap3A_226 = tpu.vector_load %arg9[%swap3A_224, %swap3A_225] {strides = array<i32>} : memref<4x64xi32, #tpu.memory_space<vmem>>, vector<16xi32>,
            tpu.vector_store %arg9[%swap3A_224, %swap3A_225], %get3A_223 {strides = array<i32>} : memref<4x64xi32, #tpu.memory_space<vmem>>, vector<16xi32>,
            %mul3A_227 = arith.constant 64 : i32
            %mul3A_228 = arith.muli %add3A_206, %mul3A_227 : i32
            %add3A_229 = arith.constant 32 : i32
            %add3A_230 = arith.addi %mul3A_228, %add3A_229 : i32
            %get3A_231 = arith.index_cast %add3A_230 : i32 to index
            %get3A_232 = tpu.vector_load %arg7[%get3A_231] {strides = array<i32>} : memref<6400xi32, #tpu.memory_space<vmem>>, vector<16xi32>,
            %swap3A_233 = arith.index_cast %rem3A_208 : i32 to index
            %swap3A_234 = arith.constant 32 : index
            %swap3A_235 = tpu.vector_load %arg9[%swap3A_233, %swap3A_234] {strides = array<i32>} : memref<4x64xi32, #tpu.memory_space<vmem>>, vector<16xi32>,
            tpu.vector_store %arg9[%swap3A_233, %swap3A_234], %get3A_232 {strides = array<i32>} : memref<4x64xi32, #tpu.memory_space<vmem>>, vector<16xi32>,
            %mul3A_236 = arith.constant 64 : i32
            %mul3A_237 = arith.muli %add3A_206, %mul3A_236 : i32
            %add3A_238 = arith.constant 48 : i32
            %add3A_239 = arith.addi %mul3A_237, %add3A_238 : i32
            %get3A_240 = arith.index_cast %add3A_239 : i32 to index
            %get3A_241 = tpu.vector_load %arg7[%get3A_240] {strides = array<i32>} : memref<6400xi32, #tpu.memory_space<vmem>>, vector<16xi32>,
            %swap3A_242 = arith.index_cast %rem3A_208 : i32 to index
            %swap3A_243 = arith.constant 48 : index
            %swap3A_244 = tpu.vector_load %arg9[%swap3A_242, %swap3A_243] {strides = array<i32>} : memref<4x64xi32, #tpu.memory_space<vmem>>, vector<16xi32>,
            tpu.vector_store %arg9[%swap3A_242, %swap3A_243], %get3A_241 {strides = array<i32>} : memref<4x64xi32, #tpu.memory_space<vmem>>, vector<16xi32>,
            %dma_start3A_245 = arith.constant 0 : i32
            %dma_start3A_246 = arith.constant 0 : i32
            %dma_start3A_247 = tpu.memref_slice %arg11[%rem3A_208, %dma_start3A_245, %dma_start3A_246] : memref<4x64x128xf32, #tpu.memory_space<vmem>> -> memref<1x64x128xf32, #tpu.memory_space<vmem>>
            %dma_start3A_248 = tpu.memref_squeeze %dma_start3A_247 : memref<1x64x128xf32, #tpu.memory_space<vmem>> -> memref<64x128xf32, #tpu.memory_space<vmem>>
            %dma_start3A_249 = arith.constant 0 : i32
            %dma_start3A_250 = tpu.memref_slice %arg9[%rem3A_208, %dma_start3A_249] : memref<4x64xi32, #tpu.memory_space<vmem>> -> memref<1x64xi32, #tpu.memory_space<vmem>>
            %dma_start3A_251 = tpu.memref_squeeze %dma_start3A_250 : memref<1x64xi32, #tpu.memory_space<vmem>> -> memref<64xi32, #tpu.memory_space<vmem>>
            %dma_start3A_252 = arith.constant 0 : i32
            %dma_start3A_253 = arith.constant 0 : i32
            %dma_start3A_254 = tpu.memref_slice %arg2[%dma_start3A_252, %dma_start3A_253] : memref<405504x128xf32, #tpu.memory_space<hbm>> -> memref<405504x128xf32, #tpu.memory_space<hbm>>
            tpu.enqueue_indirect_dma source(%dma_start3A_254 : memref<405504x128xf32, #tpu.memory_space<hbm>>) target(%dma_start3A_248 : memref<64x128xf32, #tpu.memory_space<vmem>>) offsets(%dma_start3A_251 : memref<64xi32, #tpu.memory_space<vmem>>) semaphore(%arg13 : memref<!tpu.dma_semaphore, #tpu.memory_space<semaphore_mem>>)
          } else {
          }
          %dma_wait3A = arith.constant 0 : i32
          %dma_wait3A_148 = arith.constant 0 : i32
          %dma_wait3A_149 = tpu.memref_slice %arg11[%rem3A_140, %dma_wait3A, %dma_wait3A_148] : memref<4x64x128xf32, #tpu.memory_space<vmem>> -> memref<1x64x128xf32, #tpu.memory_space<vmem>>
          %dma_wait3A_150 = tpu.memref_squeeze %dma_wait3A_149 : memref<1x64x128xf32, #tpu.memory_space<vmem>> -> memref<64x128xf32, #tpu.memory_space<vmem>>
          %dma_wait3A_151 = arith.constant 0 : i32
          %dma_wait3A_152 = arith.constant 0 : i32
          %dma_wait3A_153 = tpu.memref_slice %arg2[%dma_wait3A_151, %dma_wait3A_152] : memref<405504x128xf32, #tpu.memory_space<hbm>> -> memref<64x128xf32, #tpu.memory_space<hbm>>
          %dma_wait3A_154 = arith.constant 0 : i32
          %dma_wait3A_155 = arith.constant 0 : i32
          %dma_wait3A_156 = tpu.memref_slice %arg11[%rem3A_140, %dma_wait3A_154, %dma_wait3A_155] : memref<4x64x128xf32, #tpu.memory_space<vmem>> -> memref<1x64x128xf32, #tpu.memory_space<vmem>>
          %dma_wait3A_157 = tpu.memref_squeeze %dma_wait3A_156 : memref<1x64x128xf32, #tpu.memory_space<vmem>> -> memref<64x128xf32, #tpu.memory_space<vmem>>
          %dma_wait3A_158 = arith.constant 0 : i32
          %dma_wait3A_159 = arith.constant 0 : i32
          %dma_wait3A_160 = tpu.memref_slice %arg2[%dma_wait3A_158, %dma_wait3A_159] : memref<405504x128xf32, #tpu.memory_space<hbm>> -> memref<64x128xf32, #tpu.memory_space<hbm>>
          tpu.wait_dma2 semaphore(%arg13 : memref<!tpu.dma_semaphore, #tpu.memory_space<semaphore_mem>>) src(%dma_wait3A_160 : memref<64x128xf32, #tpu.memory_space<hbm>>) dst(%dma_wait3A_157 : memref<64x128xf32, #tpu.memory_space<vmem>>)
          %mul3A_161 = arith.constant 64 : i32
          %mul3A_162 = arith.muli %while3A_138, %mul3A_161 : i32
          %add3A_163 = arith.constant 0 : i32
          %add3A_164 = arith.addi %mul3A_162, %add3A_163 : i32
          %get3A = arith.index_cast %add3A_164 : i32 to index
          %get3A_165 = tpu.vector_load %arg8[%get3A] {strides = array<i32>} : memref<6400xi32, #tpu.memory_space<vmem>>, vector<16xi32>,
          %swap3A = arith.index_cast %rem3A_140 : i32 to index
          %swap3A_166 = arith.constant 0 : index
          %swap3A_167 = tpu.vector_load %arg10[%swap3A, %swap3A_166] {strides = array<i32>} : memref<4x64xi32, #tpu.memory_space<vmem>>, vector<16xi32>,
          tpu.vector_store %arg10[%swap3A, %swap3A_166], %get3A_165 {strides = array<i32>} : memref<4x64xi32, #tpu.memory_space<vmem>>, vector<16xi32>,
          %mul3A_168 = arith.constant 64 : i32
          %mul3A_169 = arith.muli %while3A_138, %mul3A_168 : i32
          %add3A_170 = arith.constant 16 : i32
          %add3A_171 = arith.addi %mul3A_169, %add3A_170 : i32
          %get3A_172 = arith.index_cast %add3A_171 : i32 to index
          %get3A_173 = tpu.vector_load %arg8[%get3A_172] {strides = array<i32>} : memref<6400xi32, #tpu.memory_space<vmem>>, vector<16xi32>,
          %swap3A_174 = arith.index_cast %rem3A_140 : i32 to index
          %swap3A_175 = arith.constant 16 : index
          %swap3A_176 = tpu.vector_load %arg10[%swap3A_174, %swap3A_175] {strides = array<i32>} : memref<4x64xi32, #tpu.memory_space<vmem>>, vector<16xi32>,
          tpu.vector_store %arg10[%swap3A_174, %swap3A_175], %get3A_173 {strides = array<i32>} : memref<4x64xi32, #tpu.memory_space<vmem>>, vector<16xi32>,
          %mul3A_177 = arith.constant 64 : i32
          %mul3A_178 = arith.muli %while3A_138, %mul3A_177 : i32
          %add3A_179 = arith.constant 32 : i32
          %add3A_180 = arith.addi %mul3A_178, %add3A_179 : i32
          %get3A_181 = arith.index_cast %add3A_180 : i32 to index
          %get3A_182 = tpu.vector_load %arg8[%get3A_181] {strides = array<i32>} : memref<6400xi32, #tpu.memory_space<vmem>>, vector<16xi32>,
          %swap3A_183 = arith.index_cast %rem3A_140 : i32 to index
          %swap3A_184 = arith.constant 32 : index
          %swap3A_185 = tpu.vector_load %arg10[%swap3A_183, %swap3A_184] {strides = array<i32>} : memref<4x64xi32, #tpu.memory_space<vmem>>, vector<16xi32>,
          tpu.vector_store %arg10[%swap3A_183, %swap3A_184], %get3A_182 {strides = array<i32>} : memref<4x64xi32, #tpu.memory_space<vmem>>, vector<16xi32>,
          %mul3A_186 = arith.constant 64 : i32
          %mul3A_187 = arith.muli %while3A_138, %mul3A_186 : i32
          %add3A_188 = arith.constant 48 : i32
          %add3A_189 = arith.addi %mul3A_187, %add3A_188 : i32
          %get3A_190 = arith.index_cast %add3A_189 : i32 to index
          %get3A_191 = tpu.vector_load %arg8[%get3A_190] {strides = array<i32>} : memref<6400xi32, #tpu.memory_space<vmem>>, vector<16xi32>,
          %swap3A_192 = arith.index_cast %rem3A_140 : i32 to index
          %swap3A_193 = arith.constant 48 : index
          %swap3A_194 = tpu.vector_load %arg10[%swap3A_192, %swap3A_193] {strides = array<i32>} : memref<4x64xi32, #tpu.memory_space<vmem>>, vector<16xi32>,
          tpu.vector_store %arg10[%swap3A_192, %swap3A_193], %get3A_191 {strides = array<i32>} : memref<4x64xi32, #tpu.memory_space<vmem>>, vector<16xi32>,
          %dma_start3A = arith.constant 0 : i32
          %dma_start3A_195 = arith.constant 0 : i32
          %dma_start3A_196 = tpu.memref_slice %arg11[%rem3A_140, %dma_start3A, %dma_start3A_195] : memref<4x64x128xf32, #tpu.memory_space<vmem>> -> memref<1x64x128xf32, #tpu.memory_space<vmem>>
          %dma_start3A_197 = tpu.memref_squeeze %dma_start3A_196 : memref<1x64x128xf32, #tpu.memory_space<vmem>> -> memref<64x128xf32, #tpu.memory_space<vmem>>
          %dma_start3A_198 = arith.constant 0 : i32
          %dma_start3A_199 = tpu.memref_slice %arg10[%rem3A_140, %dma_start3A_198] : memref<4x64xi32, #tpu.memory_space<vmem>> -> memref<1x64xi32, #tpu.memory_space<vmem>>
          %dma_start3A_200 = tpu.memref_squeeze %dma_start3A_199 : memref<1x64xi32, #tpu.memory_space<vmem>> -> memref<64xi32, #tpu.memory_space<vmem>>
          %dma_start3A_201 = arith.constant 0 : i32
          %dma_start3A_202 = arith.constant 0 : i32
          %dma_start3A_203 = tpu.memref_slice %arg5[%dma_start3A_201, %dma_start3A_202] : memref<8256x128xf32, #tpu.memory_space<vmem_shared>> -> memref<8256x128xf32, #tpu.memory_space<vmem_shared>>
          tpu.enqueue_indirect_dma source(%dma_start3A_197 : memref<64x128xf32, #tpu.memory_space<vmem>>) target(%dma_start3A_203 : memref<8256x128xf32, #tpu.memory_space<vmem_shared>>) offsets(%dma_start3A_200 : memref<64xi32, #tpu.memory_space<vmem>>) semaphore(%arg14 : memref<!tpu.dma_semaphore, #tpu.memory_space<semaphore_mem>>) {add = true}
          %while3A_204 = arith.constant 0 : i32
          scf.yield %while3A_204 : i32
        }
        %sub3A_123 = arith.constant 2 : i32
        %sub3A_124 = arith.subi %shift_right_arithmetic3A_104, %sub3A_123 : i32
        %max3A = arith.constant 0 : i32
        %max3A_125 = arith.maxsi %sub3A_124, %max3A : i32
        %while3A_126 = arith.constant 0 : i32
        %while3A_127 = arith.subi %shift_right_arithmetic3A_104, %max3A_125 : i32
        %while3A_128 = arith.addi %max3A_125, %while3A_127 : i32
        %while3A_129 = arith.constant 1 : i32
        %while3A_130 = arith.divsi %while3A_127, %while3A_129 : i32
        %while3A_131 = arith.muli %while3A_130, %while3A_129 : i32
        %while3A_132 = arith.addi %max3A_125, %while3A_131 : i32
        %while3A_133 = arith.constant 1 : i32
        %while3A_134 = scf.for %while3A_138 = %max3A_125 to %while3A_132 step %while3A_133 iter_args(%while3A_139 = %while3A_126) -> (i32)  : i32 {
          %rem3A = arith.constant 4 : i32
          %rem3A_140 = arith.remsi %while3A_138, %rem3A : i32
          %dma_wait3A = arith.constant 0 : i32
          %dma_wait3A_141 = arith.constant 0 : i32
          %dma_wait3A_142 = tpu.memref_slice %arg11[%rem3A_140, %dma_wait3A, %dma_wait3A_141] : memref<4x64x128xf32, #tpu.memory_space<vmem>> -> memref<1x64x128xf32, #tpu.memory_space<vmem>>
          %dma_wait3A_143 = tpu.memref_squeeze %dma_wait3A_142 : memref<1x64x128xf32, #tpu.memory_space<vmem>> -> memref<64x128xf32, #tpu.memory_space<vmem>>
          %dma_wait3A_144 = arith.constant 0 : i32
          %dma_wait3A_145 = tpu.memref_slice %arg10[%rem3A_140, %dma_wait3A_144] : memref<4x64xi32, #tpu.memory_space<vmem>> -> memref<1x64xi32, #tpu.memory_space<vmem>>
          %dma_wait3A_146 = tpu.memref_squeeze %dma_wait3A_145 : memref<1x64xi32, #tpu.memory_space<vmem>> -> memref<64xi32, #tpu.memory_space<vmem>>
          %dma_wait3A_147 = arith.constant 0 : i32
          %dma_wait3A_148 = arith.constant 0 : i32
          %dma_wait3A_149 = tpu.memref_slice %arg5[%dma_wait3A_147, %dma_wait3A_148] : memref<8256x128xf32, #tpu.memory_space<vmem_shared>> -> memref<8256x128xf32, #tpu.memory_space<vmem_shared>>
          tpu.wait_indirect_dma semaphore(%arg14 : memref<!tpu.dma_semaphore, #tpu.memory_space<semaphore_mem>>) src(%dma_wait3A_143 : memref<64x128xf32, #tpu.memory_space<vmem>>) dst(%dma_wait3A_149 : memref<8256x128xf32, #tpu.memory_space<vmem_shared>>)
          %while3A_150 = arith.constant 0 : i32
          scf.yield %while3A_150 : i32
        }
        %while3A_135 = arith.constant 1 : i32
        %while3A_136 = scf.for %while3A_138 = %while3A_132 to %while3A_128 step %while3A_135 iter_args(%while3A_139 = %while3A_134) -> (i32)  : i32 {
          %rem3A = arith.constant 4 : i32
          %rem3A_140 = arith.remsi %while3A_138, %rem3A : i32
          %dma_wait3A = arith.constant 0 : i32
          %dma_wait3A_141 = arith.constant 0 : i32
          %dma_wait3A_142 = tpu.memref_slice %arg11[%rem3A_140, %dma_wait3A, %dma_wait3A_141] : memref<4x64x128xf32, #tpu.memory_space<vmem>> -> memref<1x64x128xf32, #tpu.memory_space<vmem>>
          %dma_wait3A_143 = tpu.memref_squeeze %dma_wait3A_142 : memref<1x64x128xf32, #tpu.memory_space<vmem>> -> memref<64x128xf32, #tpu.memory_space<vmem>>
          %dma_wait3A_144 = arith.constant 0 : i32
          %dma_wait3A_145 = tpu.memref_slice %arg10[%rem3A_140, %dma_wait3A_144] : memref<4x64xi32, #tpu.memory_space<vmem>> -> memref<1x64xi32, #tpu.memory_space<vmem>>
          %dma_wait3A_146 = tpu.memref_squeeze %dma_wait3A_145 : memref<1x64xi32, #tpu.memory_space<vmem>> -> memref<64xi32, #tpu.memory_space<vmem>>
          %dma_wait3A_147 = arith.constant 0 : i32
          %dma_wait3A_148 = arith.constant 0 : i32
          %dma_wait3A_149 = tpu.memref_slice %arg5[%dma_wait3A_147, %dma_wait3A_148] : memref<8256x128xf32, #tpu.memory_space<vmem_shared>> -> memref<8256x128xf32, #tpu.memory_space<vmem_shared>>
          tpu.wait_indirect_dma semaphore(%arg14 : memref<!tpu.dma_semaphore, #tpu.memory_space<semaphore_mem>>) src(%dma_wait3A_143 : memref<64x128xf32, #tpu.memory_space<vmem>>) dst(%dma_wait3A_149 : memref<8256x128xf32, #tpu.memory_space<vmem_shared>>)
          %while3A_150 = arith.constant 0 : i32
          scf.yield %while3A_150 : i32
        }
        %scan3A_137 = arith.constant 0 : i32
        scf.yield %scan3A_137 : i32
      }
      %scan3A_70 = arith.constant 4 : i32
      %barrier3A_71 = arith.constant 0 : index
      tpu.barrier barrier_id(%barrier3A_71)
      %mul3A_72 = arith.constant 8192 : i32
      %mul3A_73 = arith.muli %add3A, %mul3A_72 : i32
      %mul3A_74 = arith.constant 512 : i32
      %mul3A_75 = arith.muli %arg1, %mul3A_74 : i32
      %add3A_76 = arith.addi %mul3A_73, %mul3A_75 : i32
      %mul3A_77 = arith.constant 512 : i32
      %mul3A_78 = arith.muli %arg1, %mul3A_77 : i32
      "tpu.region"() ({
        %run_scoped3A = tpu.sem_alloc : memref<!tpu.dma_semaphore, #tpu.memory_space<semaphore_mem>>
        %dma_start3A = arith.constant 0 : i32
        %dma_start3A_81 = tpu.memref_slice %arg4[%add3A_76, %dma_start3A] : memref<131072x128xf32, #tpu.memory_space<hbm>> -> memref<512x128xf32, #tpu.memory_space<hbm>>
        %dma_start3A_82 = arith.constant 0 : i32
        %dma_start3A_83 = tpu.memref_slice %arg5[%mul3A_78, %dma_start3A_82] : memref<8256x128xf32, #tpu.memory_space<vmem_shared>> -> memref<512x128xf32, #tpu.memory_space<vmem_shared>>
        tpu.enqueue_dma source(%dma_start3A_83 : memref<512x128xf32, #tpu.memory_space<vmem_shared>>) target(%dma_start3A_81 : memref<512x128xf32, #tpu.memory_space<hbm>>) target_semaphore(%run_scoped3A : memref<!tpu.dma_semaphore, #tpu.memory_space<semaphore_mem>>)
        %dma_wait3A = arith.constant 0 : i32
        %dma_wait3A_84 = tpu.memref_slice %arg4[%add3A_76, %dma_wait3A] : memref<131072x128xf32, #tpu.memory_space<hbm>> -> memref<512x128xf32, #tpu.memory_space<hbm>>
        %dma_wait3A_85 = arith.constant 0 : i32
        %dma_wait3A_86 = tpu.memref_slice %arg5[%mul3A_78, %dma_wait3A_85] : memref<8256x128xf32, #tpu.memory_space<vmem_shared>> -> memref<512x128xf32, #tpu.memory_space<vmem_shared>>
        tpu.wait_dma2 semaphore(%run_scoped3A : memref<!tpu.dma_semaphore, #tpu.memory_space<semaphore_mem>>) src(%dma_wait3A_86 : memref<512x128xf32, #tpu.memory_space<vmem_shared>>) dst(%dma_wait3A_84 : memref<512x128xf32, #tpu.memory_space<hbm>>)
        tpu.yield
      }) : () -> ()
      %barrier3A_79 = arith.constant 0 : index
      tpu.barrier barrier_id(%barrier3A_79)
      %scan3A_80 = arith.constant 0 : i32
      scf.yield %scan3A_80 : i32
    }
    %scan3A_12 = arith.constant 8 : i32
    return
  }
}

module attributes {stable_mosaic.version = 14 : i64} {
  func.func @_feat_body(%arg0: i32, %arg1: i32, %arg2: memref<1x8x1408x1xf32, #tpu.memory_space<vmem>>, %arg3: memref<1x1408x80xf32, #tpu.memory_space<vmem>>, %arg4: memref<1x8x1408x128xf32, #tpu.memory_space<vmem>>) attributes {dimension_semantics = [#tpu.dimension_semantics<arbitrary>, #tpu.dimension_semantics<arbitrary>], iteration_bounds = array<i64: 6, 6>, scalar_prefetch = 0 : i64, scratch_operands = 0 : i64, tpu.core_type = #tpu.core_type<tc>, window_params = [{transform_indices = @transform_0, window_bounds = array<i64: 1, 8, 1408, 1>}, {transform_indices = @transform_1, window_bounds = array<i64: 1, 1408, 80>}, {transform_indices = @transform_2, window_bounds = array<i64: 1, 8, 1408, 128>}]} {
    %get3A = arith.constant 0 : index
    %get3A_0 = arith.constant 0 : index
    %get3A_1 = arith.constant 0 : index
    %get3A_2 = vector.load %arg3[%get3A, %get3A_0, %get3A_1] : memref<1x1408x80xf32, #tpu.memory_space<vmem>>, vector<1x1408x80xf32>
    %get3A_3 = vector.shape_cast %get3A_2 : vector<1x1408x80xf32> to vector<1408x80xf32>
    %broadcast_in_dim3A = arith.constant 1.000000e+00 : f32
    %broadcast_in_dim3A_4 = vector.broadcast %broadcast_in_dim3A : f32 to vector<1408x1xf32>
    %broadcast_in_dim3A_5 = arith.constant 0.000000e+00 : f32
    %broadcast_in_dim3A_6 = vector.broadcast %broadcast_in_dim3A_5 : f32 to vector<1408x47xf32>
    %get3A_7 = arith.constant 0 : index
    %get3A_8 = arith.constant 0 : index
    %get3A_9 = arith.constant 0 : index
    %get3A_10 = arith.constant 0 : index
    %get3A_11 = vector.load %arg2[%get3A_7, %get3A_8, %get3A_9, %get3A_10] : memref<1x8x1408x1xf32, #tpu.memory_space<vmem>>, vector<1x1x1408x1xf32>
    %get3A_12 = vector.shape_cast %get3A_11 : vector<1x1x1408x1xf32> to vector<1408x1xf32>
    %mul3A = vector.broadcast %get3A_12 : vector<1408x1xf32> to vector<1408x80xf32>
    %mul3A_13 = arith.mulf %mul3A, %get3A_3 : vector<1408x80xf32>
    %concatenate3A = tpu.concatenate %mul3A_13, %broadcast_in_dim3A_4, %broadcast_in_dim3A_6 in 1 : vector<1408x80xf32>, vector<1408x1xf32>, vector<1408x47xf32> -> vector<1408x128xf32>
    %swap3A = arith.constant 0 : index
    %swap3A_14 = arith.constant 0 : index
    %swap3A_15 = arith.constant 0 : index
    %swap3A_16 = arith.constant 0 : index
    %swap3A_17 = vector.load %arg4[%swap3A, %swap3A_14, %swap3A_15, %swap3A_16] : memref<1x8x1408x128xf32, #tpu.memory_space<vmem>>, vector<1x1x1408x128xf32>
    %swap3A_18 = vector.shape_cast %swap3A_17 : vector<1x1x1408x128xf32> to vector<1408x128xf32>
    %swap3A_19 = vector.shape_cast %concatenate3A : vector<1408x128xf32> to vector<1x1x1408x128xf32>
    tpu.vector_store %arg4[%swap3A, %swap3A_14, %swap3A_15, %swap3A_16], %swap3A_19 {strides = array<i32>} : memref<1x8x1408x128xf32, #tpu.memory_space<vmem>>, vector<1x1x1408x128xf32>,
    %get3A_20 = arith.constant 0 : index
    %get3A_21 = arith.constant 1 : index
    %get3A_22 = arith.constant 0 : index
    %get3A_23 = arith.constant 0 : index
    %get3A_24 = vector.load %arg2[%get3A_20, %get3A_21, %get3A_22, %get3A_23] : memref<1x8x1408x1xf32, #tpu.memory_space<vmem>>, vector<1x1x1408x1xf32>
    %get3A_25 = vector.shape_cast %get3A_24 : vector<1x1x1408x1xf32> to vector<1408x1xf32>
    %mul3A_26 = vector.broadcast %get3A_25 : vector<1408x1xf32> to vector<1408x80xf32>
    %mul3A_27 = arith.mulf %mul3A_26, %get3A_3 : vector<1408x80xf32>
    %concatenate3A_28 = tpu.concatenate %mul3A_27, %broadcast_in_dim3A_4, %broadcast_in_dim3A_6 in 1 : vector<1408x80xf32>, vector<1408x1xf32>, vector<1408x47xf32> -> vector<1408x128xf32>
    %swap3A_29 = arith.constant 0 : index
    %swap3A_30 = arith.constant 1 : index
    %swap3A_31 = arith.constant 0 : index
    %swap3A_32 = arith.constant 0 : index
    %swap3A_33 = vector.load %arg4[%swap3A_29, %swap3A_30, %swap3A_31, %swap3A_32] : memref<1x8x1408x128xf32, #tpu.memory_space<vmem>>, vector<1x1x1408x128xf32>
    %swap3A_34 = vector.shape_cast %swap3A_33 : vector<1x1x1408x128xf32> to vector<1408x128xf32>
    %swap3A_35 = vector.shape_cast %concatenate3A_28 : vector<1408x128xf32> to vector<1x1x1408x128xf32>
    tpu.vector_store %arg4[%swap3A_29, %swap3A_30, %swap3A_31, %swap3A_32], %swap3A_35 {strides = array<i32>} : memref<1x8x1408x128xf32, #tpu.memory_space<vmem>>, vector<1x1x1408x128xf32>,
    %get3A_36 = arith.constant 0 : index
    %get3A_37 = arith.constant 2 : index
    %get3A_38 = arith.constant 0 : index
    %get3A_39 = arith.constant 0 : index
    %get3A_40 = vector.load %arg2[%get3A_36, %get3A_37, %get3A_38, %get3A_39] : memref<1x8x1408x1xf32, #tpu.memory_space<vmem>>, vector<1x1x1408x1xf32>
    %get3A_41 = vector.shape_cast %get3A_40 : vector<1x1x1408x1xf32> to vector<1408x1xf32>
    %mul3A_42 = vector.broadcast %get3A_41 : vector<1408x1xf32> to vector<1408x80xf32>
    %mul3A_43 = arith.mulf %mul3A_42, %get3A_3 : vector<1408x80xf32>
    %concatenate3A_44 = tpu.concatenate %mul3A_43, %broadcast_in_dim3A_4, %broadcast_in_dim3A_6 in 1 : vector<1408x80xf32>, vector<1408x1xf32>, vector<1408x47xf32> -> vector<1408x128xf32>
    %swap3A_45 = arith.constant 0 : index
    %swap3A_46 = arith.constant 2 : index
    %swap3A_47 = arith.constant 0 : index
    %swap3A_48 = arith.constant 0 : index
    %swap3A_49 = vector.load %arg4[%swap3A_45, %swap3A_46, %swap3A_47, %swap3A_48] : memref<1x8x1408x128xf32, #tpu.memory_space<vmem>>, vector<1x1x1408x128xf32>
    %swap3A_50 = vector.shape_cast %swap3A_49 : vector<1x1x1408x128xf32> to vector<1408x128xf32>
    %swap3A_51 = vector.shape_cast %concatenate3A_44 : vector<1408x128xf32> to vector<1x1x1408x128xf32>
    tpu.vector_store %arg4[%swap3A_45, %swap3A_46, %swap3A_47, %swap3A_48], %swap3A_51 {strides = array<i32>} : memref<1x8x1408x128xf32, #tpu.memory_space<vmem>>, vector<1x1x1408x128xf32>,
    %get3A_52 = arith.constant 0 : index
    %get3A_53 = arith.constant 3 : index
    %get3A_54 = arith.constant 0 : index
    %get3A_55 = arith.constant 0 : index
    %get3A_56 = vector.load %arg2[%get3A_52, %get3A_53, %get3A_54, %get3A_55] : memref<1x8x1408x1xf32, #tpu.memory_space<vmem>>, vector<1x1x1408x1xf32>
    %get3A_57 = vector.shape_cast %get3A_56 : vector<1x1x1408x1xf32> to vector<1408x1xf32>
    %mul3A_58 = vector.broadcast %get3A_57 : vector<1408x1xf32> to vector<1408x80xf32>
    %mul3A_59 = arith.mulf %mul3A_58, %get3A_3 : vector<1408x80xf32>
    %concatenate3A_60 = tpu.concatenate %mul3A_59, %broadcast_in_dim3A_4, %broadcast_in_dim3A_6 in 1 : vector<1408x80xf32>, vector<1408x1xf32>, vector<1408x47xf32> -> vector<1408x128xf32>
    %swap3A_61 = arith.constant 0 : index
    %swap3A_62 = arith.constant 3 : index
    %swap3A_63 = arith.constant 0 : index
    %swap3A_64 = arith.constant 0 : index
    %swap3A_65 = vector.load %arg4[%swap3A_61, %swap3A_62, %swap3A_63, %swap3A_64] : memref<1x8x1408x128xf32, #tpu.memory_space<vmem>>, vector<1x1x1408x128xf32>
    %swap3A_66 = vector.shape_cast %swap3A_65 : vector<1x1x1408x128xf32> to vector<1408x128xf32>
    %swap3A_67 = vector.shape_cast %concatenate3A_60 : vector<1408x128xf32> to vector<1x1x1408x128xf32>
    tpu.vector_store %arg4[%swap3A_61, %swap3A_62, %swap3A_63, %swap3A_64], %swap3A_67 {strides = array<i32>} : memref<1x8x1408x128xf32, #tpu.memory_space<vmem>>, vector<1x1x1408x128xf32>,
    %get3A_68 = arith.constant 0 : index
    %get3A_69 = arith.constant 4 : index
    %get3A_70 = arith.constant 0 : index
    %get3A_71 = arith.constant 0 : index
    %get3A_72 = vector.load %arg2[%get3A_68, %get3A_69, %get3A_70, %get3A_71] : memref<1x8x1408x1xf32, #tpu.memory_space<vmem>>, vector<1x1x1408x1xf32>
    %get3A_73 = vector.shape_cast %get3A_72 : vector<1x1x1408x1xf32> to vector<1408x1xf32>
    %mul3A_74 = vector.broadcast %get3A_73 : vector<1408x1xf32> to vector<1408x80xf32>
    %mul3A_75 = arith.mulf %mul3A_74, %get3A_3 : vector<1408x80xf32>
    %concatenate3A_76 = tpu.concatenate %mul3A_75, %broadcast_in_dim3A_4, %broadcast_in_dim3A_6 in 1 : vector<1408x80xf32>, vector<1408x1xf32>, vector<1408x47xf32> -> vector<1408x128xf32>
    %swap3A_77 = arith.constant 0 : index
    %swap3A_78 = arith.constant 4 : index
    %swap3A_79 = arith.constant 0 : index
    %swap3A_80 = arith.constant 0 : index
    %swap3A_81 = vector.load %arg4[%swap3A_77, %swap3A_78, %swap3A_79, %swap3A_80] : memref<1x8x1408x128xf32, #tpu.memory_space<vmem>>, vector<1x1x1408x128xf32>
    %swap3A_82 = vector.shape_cast %swap3A_81 : vector<1x1x1408x128xf32> to vector<1408x128xf32>
    %swap3A_83 = vector.shape_cast %concatenate3A_76 : vector<1408x128xf32> to vector<1x1x1408x128xf32>
    tpu.vector_store %arg4[%swap3A_77, %swap3A_78, %swap3A_79, %swap3A_80], %swap3A_83 {strides = array<i32>} : memref<1x8x1408x128xf32, #tpu.memory_space<vmem>>, vector<1x1x1408x128xf32>,
    %get3A_84 = arith.constant 0 : index
    %get3A_85 = arith.constant 5 : index
    %get3A_86 = arith.constant 0 : index
    %get3A_87 = arith.constant 0 : index
    %get3A_88 = vector.load %arg2[%get3A_84, %get3A_85, %get3A_86, %get3A_87] : memref<1x8x1408x1xf32, #tpu.memory_space<vmem>>, vector<1x1x1408x1xf32>
    %get3A_89 = vector.shape_cast %get3A_88 : vector<1x1x1408x1xf32> to vector<1408x1xf32>
    %mul3A_90 = vector.broadcast %get3A_89 : vector<1408x1xf32> to vector<1408x80xf32>
    %mul3A_91 = arith.mulf %mul3A_90, %get3A_3 : vector<1408x80xf32>
    %concatenate3A_92 = tpu.concatenate %mul3A_91, %broadcast_in_dim3A_4, %broadcast_in_dim3A_6 in 1 : vector<1408x80xf32>, vector<1408x1xf32>, vector<1408x47xf32> -> vector<1408x128xf32>
    %swap3A_93 = arith.constant 0 : index
    %swap3A_94 = arith.constant 5 : index
    %swap3A_95 = arith.constant 0 : index
    %swap3A_96 = arith.constant 0 : index
    %swap3A_97 = vector.load %arg4[%swap3A_93, %swap3A_94, %swap3A_95, %swap3A_96] : memref<1x8x1408x128xf32, #tpu.memory_space<vmem>>, vector<1x1x1408x128xf32>
    %swap3A_98 = vector.shape_cast %swap3A_97 : vector<1x1x1408x128xf32> to vector<1408x128xf32>
    %swap3A_99 = vector.shape_cast %concatenate3A_92 : vector<1408x128xf32> to vector<1x1x1408x128xf32>
    tpu.vector_store %arg4[%swap3A_93, %swap3A_94, %swap3A_95, %swap3A_96], %swap3A_99 {strides = array<i32>} : memref<1x8x1408x128xf32, #tpu.memory_space<vmem>>, vector<1x1x1408x128xf32>,
    %get3A_100 = arith.constant 0 : index
    %get3A_101 = arith.constant 6 : index
    %get3A_102 = arith.constant 0 : index
    %get3A_103 = arith.constant 0 : index
    %get3A_104 = vector.load %arg2[%get3A_100, %get3A_101, %get3A_102, %get3A_103] : memref<1x8x1408x1xf32, #tpu.memory_space<vmem>>, vector<1x1x1408x1xf32>
    %get3A_105 = vector.shape_cast %get3A_104 : vector<1x1x1408x1xf32> to vector<1408x1xf32>
    %mul3A_106 = vector.broadcast %get3A_105 : vector<1408x1xf32> to vector<1408x80xf32>
    %mul3A_107 = arith.mulf %mul3A_106, %get3A_3 : vector<1408x80xf32>
    %concatenate3A_108 = tpu.concatenate %mul3A_107, %broadcast_in_dim3A_4, %broadcast_in_dim3A_6 in 1 : vector<1408x80xf32>, vector<1408x1xf32>, vector<1408x47xf32> -> vector<1408x128xf32>
    %swap3A_109 = arith.constant 0 : index
    %swap3A_110 = arith.constant 6 : index
    %swap3A_111 = arith.constant 0 : index
    %swap3A_112 = arith.constant 0 : index
    %swap3A_113 = vector.load %arg4[%swap3A_109, %swap3A_110, %swap3A_111, %swap3A_112] : memref<1x8x1408x128xf32, #tpu.memory_space<vmem>>, vector<1x1x1408x128xf32>
    %swap3A_114 = vector.shape_cast %swap3A_113 : vector<1x1x1408x128xf32> to vector<1408x128xf32>
    %swap3A_115 = vector.shape_cast %concatenate3A_108 : vector<1408x128xf32> to vector<1x1x1408x128xf32>
    tpu.vector_store %arg4[%swap3A_109, %swap3A_110, %swap3A_111, %swap3A_112], %swap3A_115 {strides = array<i32>} : memref<1x8x1408x128xf32, #tpu.memory_space<vmem>>, vector<1x1x1408x128xf32>,
    %get3A_116 = arith.constant 0 : index
    %get3A_117 = arith.constant 7 : index
    %get3A_118 = arith.constant 0 : index
    %get3A_119 = arith.constant 0 : index
    %get3A_120 = vector.load %arg2[%get3A_116, %get3A_117, %get3A_118, %get3A_119] : memref<1x8x1408x1xf32, #tpu.memory_space<vmem>>, vector<1x1x1408x1xf32>
    %get3A_121 = vector.shape_cast %get3A_120 : vector<1x1x1408x1xf32> to vector<1408x1xf32>
    %mul3A_122 = vector.broadcast %get3A_121 : vector<1408x1xf32> to vector<1408x80xf32>
    %mul3A_123 = arith.mulf %mul3A_122, %get3A_3 : vector<1408x80xf32>
    %concatenate3A_124 = tpu.concatenate %mul3A_123, %broadcast_in_dim3A_4, %broadcast_in_dim3A_6 in 1 : vector<1408x80xf32>, vector<1408x1xf32>, vector<1408x47xf32> -> vector<1408x128xf32>
    %swap3A_125 = arith.constant 0 : index
    %swap3A_126 = arith.constant 7 : index
    %swap3A_127 = arith.constant 0 : index
    %swap3A_128 = arith.constant 0 : index
    %swap3A_129 = vector.load %arg4[%swap3A_125, %swap3A_126, %swap3A_127, %swap3A_128] : memref<1x8x1408x128xf32, #tpu.memory_space<vmem>>, vector<1x1x1408x128xf32>
    %swap3A_130 = vector.shape_cast %swap3A_129 : vector<1x1x1408x128xf32> to vector<1408x128xf32>
    %swap3A_131 = vector.shape_cast %concatenate3A_124 : vector<1408x128xf32> to vector<1x1x1408x128xf32>
    tpu.vector_store %arg4[%swap3A_125, %swap3A_126, %swap3A_127, %swap3A_128], %swap3A_131 {strides = array<i32>} : memref<1x8x1408x128xf32, #tpu.memory_space<vmem>>, vector<1x1x1408x128xf32>,
    return
  }
  func.func @transform_0(%arg0: i32, %arg1: i32) -> (i32, i32, i32, i32) {
    %c0_i32 = arith.constant 0 : i32
    %c0_i32_0 = arith.constant 0 : i32
    %c0_i32_1 = arith.constant 0 : i32
    return %arg0, %arg1, %c0_i32, %c0_i32_0 : i32, i32, i32, i32
  }
  func.func @transform_1(%arg0: i32, %arg1: i32) -> (i32, i32, i32) {
    %c0_i32 = arith.constant 0 : i32
    %c0_i32_0 = arith.constant 0 : i32
    %c0_i32_1 = arith.constant 0 : i32
    return %arg0, %c0_i32, %c0_i32_0 : i32, i32, i32
  }
  func.func @transform_2(%arg0: i32, %arg1: i32) -> (i32, i32, i32, i32) {
    %c0_i32 = arith.constant 0 : i32
    %c0_i32_0 = arith.constant 0 : i32
    %c0_i32_1 = arith.constant 0 : i32
    return %arg0, %arg1, %c0_i32, %c0_i32_0 : i32, i32, i32, i32
  }
}

module attributes {stable_mosaic.version = 14 : i64} {
  func.func @_finish_body(%arg0: i32, %arg1: memref<8x128x80xf32, #tpu.memory_space<vmem>>, %arg2: memref<8x128x128xf32, #tpu.memory_space<vmem>>, %arg3: memref<128x1xf32, #tpu.memory_space<vmem>>, %arg4: memref<128x1xf32, #tpu.memory_space<vmem>>, %arg5: memref<128x128xf32, #tpu.memory_space<vmem>>) attributes {dimension_semantics = [#tpu.dimension_semantics<arbitrary>], iteration_bounds = array<i64: 128>, scalar_prefetch = 0 : i64, scratch_operands = 0 : i64, tpu.core_type = #tpu.core_type<tc>, window_params = [{pipeline_mode = #tpu.pipeline_mode<synchronous>, transform_indices = @transform_0, window_bounds = array<i64: 8, 128, 80>}, {transform_indices = @transform_1, window_bounds = array<i64: 8, 128, 128>}, {pipeline_mode = #tpu.pipeline_mode<synchronous>, transform_indices = @transform_2, window_bounds = array<i64: 128, 1>}, {pipeline_mode = #tpu.pipeline_mode<synchronous>, transform_indices = @transform_3, window_bounds = array<i64: 128, 1>}, {transform_indices = @transform_4, window_bounds = array<i64: 128, 128>}]} {
    %broadcast_in_dim3A = arith.constant 0.000000e+00 : f32
    %broadcast_in_dim3A_0 = vector.broadcast %broadcast_in_dim3A : f32 to vector<128x128xf32>
    %get3A = arith.constant 0 : index
    %get3A_1 = arith.constant 0 : index
    %get3A_2 = arith.constant 0 : index
    %get3A_3 = vector.load %arg2[%get3A, %get3A_1, %get3A_2] : memref<8x128x128xf32, #tpu.memory_space<vmem>>, vector<1x128x128xf32>
    %get3A_4 = vector.shape_cast %get3A_3 : vector<1x128x128xf32> to vector<128x128xf32>
    %slice3A = vector.extract_strided_slice %get3A_4 {offsets = [0, 0], sizes = [128, 80], strides = [1, 1]} : vector<128x128xf32> to vector<128x80xf32>
    %slice3A_5 = vector.extract_strided_slice %get3A_4 {offsets = [0, 80], sizes = [128, 1], strides = [1, 1]} : vector<128x128xf32> to vector<128x1xf32>
    %squeeze3A = vector.shape_cast %slice3A_5 : vector<128x1xf32> to vector<128xf32>
    %max3A = arith.constant 1.000000e+00 : f32
    %max3A_6 = vector.broadcast %max3A : f32 to vector<128xf32>
    %max3A_7 = arith.maximumf %squeeze3A, %max3A_6 : vector<128xf32>
    %div3A = arith.constant 1.000000e+00 : f32
    %div3A_8 = vector.broadcast %div3A : f32 to vector<128xf32>
    %div3A_9 = arith.divf %div3A_8, %max3A_7 : vector<128xf32>
    %broadcast_in_dim3A_10 = vector.shape_cast %div3A_9 : vector<128xf32> to vector<128x1xf32>
    %mul3A = vector.broadcast %broadcast_in_dim3A_10 : vector<128x1xf32> to vector<128x80xf32>
    %mul3A_11 = arith.mulf %slice3A, %mul3A : vector<128x80xf32>
    %get3A_12 = arith.constant 0 : index
    %get3A_13 = arith.constant 0 : index
    %get3A_14 = arith.constant 0 : index
    %get3A_15 = vector.load %arg1[%get3A_12, %get3A_13, %get3A_14] : memref<8x128x80xf32, #tpu.memory_space<vmem>>, vector<1x128x80xf32>
    %get3A_16 = vector.shape_cast %get3A_15 : vector<1x128x80xf32> to vector<128x80xf32>
    %dot_general3A = arith.constant dense<0.000000e+00> : vector<128x128xf32>
    %dot_general3A_17 = tpu.matmul %get3A_16, %mul3A_11, %dot_general3A {dimension_numbers = #tpu.dot_dimension_numbers<[1], [1], [0], [0], [0, 0, 1, 0], [], []>, transpose_lhs_hint = false} : vector<128x80xf32>, vector<128x80xf32>, vector<128x128xf32> -> vector<128x128xf32>
    %add3A = arith.addf %broadcast_in_dim3A_0, %dot_general3A_17 : vector<128x128xf32>
    %get3A_18 = arith.constant 1 : index
    %get3A_19 = arith.constant 0 : index
    %get3A_20 = arith.constant 0 : index
    %get3A_21 = vector.load %arg2[%get3A_18, %get3A_19, %get3A_20] : memref<8x128x128xf32, #tpu.memory_space<vmem>>, vector<1x128x128xf32>
    %get3A_22 = vector.shape_cast %get3A_21 : vector<1x128x128xf32> to vector<128x128xf32>
    %slice3A_23 = vector.extract_strided_slice %get3A_22 {offsets = [0, 0], sizes = [128, 80], strides = [1, 1]} : vector<128x128xf32> to vector<128x80xf32>
    %slice3A_24 = vector.extract_strided_slice %get3A_22 {offsets = [0, 80], sizes = [128, 1], strides = [1, 1]} : vector<128x128xf32> to vector<128x1xf32>
    %squeeze3A_25 = vector.shape_cast %slice3A_24 : vector<128x1xf32> to vector<128xf32>
    %max3A_26 = arith.constant 1.000000e+00 : f32
    %max3A_27 = vector.broadcast %max3A_26 : f32 to vector<128xf32>
    %max3A_28 = arith.maximumf %squeeze3A_25, %max3A_27 : vector<128xf32>
    %div3A_29 = arith.constant 1.000000e+00 : f32
    %div3A_30 = vector.broadcast %div3A_29 : f32 to vector<128xf32>
    %div3A_31 = arith.divf %div3A_30, %max3A_28 : vector<128xf32>
    %broadcast_in_dim3A_32 = vector.shape_cast %div3A_31 : vector<128xf32> to vector<128x1xf32>
    %mul3A_33 = vector.broadcast %broadcast_in_dim3A_32 : vector<128x1xf32> to vector<128x80xf32>
    %mul3A_34 = arith.mulf %slice3A_23, %mul3A_33 : vector<128x80xf32>
    %get3A_35 = arith.constant 1 : index
    %get3A_36 = arith.constant 0 : index
    %get3A_37 = arith.constant 0 : index
    %get3A_38 = vector.load %arg1[%get3A_35, %get3A_36, %get3A_37] : memref<8x128x80xf32, #tpu.memory_space<vmem>>, vector<1x128x80xf32>
    %get3A_39 = vector.shape_cast %get3A_38 : vector<1x128x80xf32> to vector<128x80xf32>
    %dot_general3A_40 = arith.constant dense<0.000000e+00> : vector<128x128xf32>
    %dot_general3A_41 = tpu.matmul %get3A_39, %mul3A_34, %dot_general3A_40 {dimension_numbers = #tpu.dot_dimension_numbers<[1], [1], [0], [0], [0, 0, 1, 0], [], []>, transpose_lhs_hint = false} : vector<128x80xf32>, vector<128x80xf32>, vector<128x128xf32> -> vector<128x128xf32>
    %add3A_42 = arith.addf %add3A, %dot_general3A_41 : vector<128x128xf32>
    %get3A_43 = arith.constant 2 : index
    %get3A_44 = arith.constant 0 : index
    %get3A_45 = arith.constant 0 : index
    %get3A_46 = vector.load %arg2[%get3A_43, %get3A_44, %get3A_45] : memref<8x128x128xf32, #tpu.memory_space<vmem>>, vector<1x128x128xf32>
    %get3A_47 = vector.shape_cast %get3A_46 : vector<1x128x128xf32> to vector<128x128xf32>
    %slice3A_48 = vector.extract_strided_slice %get3A_47 {offsets = [0, 0], sizes = [128, 80], strides = [1, 1]} : vector<128x128xf32> to vector<128x80xf32>
    %slice3A_49 = vector.extract_strided_slice %get3A_47 {offsets = [0, 80], sizes = [128, 1], strides = [1, 1]} : vector<128x128xf32> to vector<128x1xf32>
    %squeeze3A_50 = vector.shape_cast %slice3A_49 : vector<128x1xf32> to vector<128xf32>
    %max3A_51 = arith.constant 1.000000e+00 : f32
    %max3A_52 = vector.broadcast %max3A_51 : f32 to vector<128xf32>
    %max3A_53 = arith.maximumf %squeeze3A_50, %max3A_52 : vector<128xf32>
    %div3A_54 = arith.constant 1.000000e+00 : f32
    %div3A_55 = vector.broadcast %div3A_54 : f32 to vector<128xf32>
    %div3A_56 = arith.divf %div3A_55, %max3A_53 : vector<128xf32>
    %broadcast_in_dim3A_57 = vector.shape_cast %div3A_56 : vector<128xf32> to vector<128x1xf32>
    %mul3A_58 = vector.broadcast %broadcast_in_dim3A_57 : vector<128x1xf32> to vector<128x80xf32>
    %mul3A_59 = arith.mulf %slice3A_48, %mul3A_58 : vector<128x80xf32>
    %get3A_60 = arith.constant 2 : index
    %get3A_61 = arith.constant 0 : index
    %get3A_62 = arith.constant 0 : index
    %get3A_63 = vector.load %arg1[%get3A_60, %get3A_61, %get3A_62] : memref<8x128x80xf32, #tpu.memory_space<vmem>>, vector<1x128x80xf32>
    %get3A_64 = vector.shape_cast %get3A_63 : vector<1x128x80xf32> to vector<128x80xf32>
    %dot_general3A_65 = arith.constant dense<0.000000e+00> : vector<128x128xf32>
    %dot_general3A_66 = tpu.matmul %get3A_64, %mul3A_59, %dot_general3A_65 {dimension_numbers = #tpu.dot_dimension_numbers<[1], [1], [0], [0], [0, 0, 1, 0], [], []>, transpose_lhs_hint = false} : vector<128x80xf32>, vector<128x80xf32>, vector<128x128xf32> -> vector<128x128xf32>
    %add3A_67 = arith.addf %add3A_42, %dot_general3A_66 : vector<128x128xf32>
    %get3A_68 = arith.constant 3 : index
    %get3A_69 = arith.constant 0 : index
    %get3A_70 = arith.constant 0 : index
    %get3A_71 = vector.load %arg2[%get3A_68, %get3A_69, %get3A_70] : memref<8x128x128xf32, #tpu.memory_space<vmem>>, vector<1x128x128xf32>
    %get3A_72 = vector.shape_cast %get3A_71 : vector<1x128x128xf32> to vector<128x128xf32>
    %slice3A_73 = vector.extract_strided_slice %get3A_72 {offsets = [0, 0], sizes = [128, 80], strides = [1, 1]} : vector<128x128xf32> to vector<128x80xf32>
    %slice3A_74 = vector.extract_strided_slice %get3A_72 {offsets = [0, 80], sizes = [128, 1], strides = [1, 1]} : vector<128x128xf32> to vector<128x1xf32>
    %squeeze3A_75 = vector.shape_cast %slice3A_74 : vector<128x1xf32> to vector<128xf32>
    %max3A_76 = arith.constant 1.000000e+00 : f32
    %max3A_77 = vector.broadcast %max3A_76 : f32 to vector<128xf32>
    %max3A_78 = arith.maximumf %squeeze3A_75, %max3A_77 : vector<128xf32>
    %div3A_79 = arith.constant 1.000000e+00 : f32
    %div3A_80 = vector.broadcast %div3A_79 : f32 to vector<128xf32>
    %div3A_81 = arith.divf %div3A_80, %max3A_78 : vector<128xf32>
    %broadcast_in_dim3A_82 = vector.shape_cast %div3A_81 : vector<128xf32> to vector<128x1xf32>
    %mul3A_83 = vector.broadcast %broadcast_in_dim3A_82 : vector<128x1xf32> to vector<128x80xf32>
    %mul3A_84 = arith.mulf %slice3A_73, %mul3A_83 : vector<128x80xf32>
    %get3A_85 = arith.constant 3 : index
    %get3A_86 = arith.constant 0 : index
    %get3A_87 = arith.constant 0 : index
    %get3A_88 = vector.load %arg1[%get3A_85, %get3A_86, %get3A_87] : memref<8x128x80xf32, #tpu.memory_space<vmem>>, vector<1x128x80xf32>
    %get3A_89 = vector.shape_cast %get3A_88 : vector<1x128x80xf32> to vector<128x80xf32>
    %dot_general3A_90 = arith.constant dense<0.000000e+00> : vector<128x128xf32>
    %dot_general3A_91 = tpu.matmul %get3A_89, %mul3A_84, %dot_general3A_90 {dimension_numbers = #tpu.dot_dimension_numbers<[1], [1], [0], [0], [0, 0, 1, 0], [], []>, transpose_lhs_hint = false} : vector<128x80xf32>, vector<128x80xf32>, vector<128x128xf32> -> vector<128x128xf32>
    %add3A_92 = arith.addf %add3A_67, %dot_general3A_91 : vector<128x128xf32>
    %get3A_93 = arith.constant 4 : index
    %get3A_94 = arith.constant 0 : index
    %get3A_95 = arith.constant 0 : index
    %get3A_96 = vector.load %arg2[%get3A_93, %get3A_94, %get3A_95] : memref<8x128x128xf32, #tpu.memory_space<vmem>>, vector<1x128x128xf32>
    %get3A_97 = vector.shape_cast %get3A_96 : vector<1x128x128xf32> to vector<128x128xf32>
    %slice3A_98 = vector.extract_strided_slice %get3A_97 {offsets = [0, 0], sizes = [128, 80], strides = [1, 1]} : vector<128x128xf32> to vector<128x80xf32>
    %slice3A_99 = vector.extract_strided_slice %get3A_97 {offsets = [0, 80], sizes = [128, 1], strides = [1, 1]} : vector<128x128xf32> to vector<128x1xf32>
    %squeeze3A_100 = vector.shape_cast %slice3A_99 : vector<128x1xf32> to vector<128xf32>
    %max3A_101 = arith.constant 1.000000e+00 : f32
    %max3A_102 = vector.broadcast %max3A_101 : f32 to vector<128xf32>
    %max3A_103 = arith.maximumf %squeeze3A_100, %max3A_102 : vector<128xf32>
    %div3A_104 = arith.constant 1.000000e+00 : f32
    %div3A_105 = vector.broadcast %div3A_104 : f32 to vector<128xf32>
    %div3A_106 = arith.divf %div3A_105, %max3A_103 : vector<128xf32>
    %broadcast_in_dim3A_107 = vector.shape_cast %div3A_106 : vector<128xf32> to vector<128x1xf32>
    %mul3A_108 = vector.broadcast %broadcast_in_dim3A_107 : vector<128x1xf32> to vector<128x80xf32>
    %mul3A_109 = arith.mulf %slice3A_98, %mul3A_108 : vector<128x80xf32>
    %get3A_110 = arith.constant 4 : index
    %get3A_111 = arith.constant 0 : index
    %get3A_112 = arith.constant 0 : index
    %get3A_113 = vector.load %arg1[%get3A_110, %get3A_111, %get3A_112] : memref<8x128x80xf32, #tpu.memory_space<vmem>>, vector<1x128x80xf32>
    %get3A_114 = vector.shape_cast %get3A_113 : vector<1x128x80xf32> to vector<128x80xf32>
    %dot_general3A_115 = arith.constant dense<0.000000e+00> : vector<128x128xf32>
    %dot_general3A_116 = tpu.matmul %get3A_114, %mul3A_109, %dot_general3A_115 {dimension_numbers = #tpu.dot_dimension_numbers<[1], [1], [0], [0], [0, 0, 1, 0], [], []>, transpose_lhs_hint = false} : vector<128x80xf32>, vector<128x80xf32>, vector<128x128xf32> -> vector<128x128xf32>
    %add3A_117 = arith.addf %add3A_92, %dot_general3A_116 : vector<128x128xf32>
    %get3A_118 = arith.constant 5 : index
    %get3A_119 = arith.constant 0 : index
    %get3A_120 = arith.constant 0 : index
    %get3A_121 = vector.load %arg2[%get3A_118, %get3A_119, %get3A_120] : memref<8x128x128xf32, #tpu.memory_space<vmem>>, vector<1x128x128xf32>
    %get3A_122 = vector.shape_cast %get3A_121 : vector<1x128x128xf32> to vector<128x128xf32>
    %slice3A_123 = vector.extract_strided_slice %get3A_122 {offsets = [0, 0], sizes = [128, 80], strides = [1, 1]} : vector<128x128xf32> to vector<128x80xf32>
    %slice3A_124 = vector.extract_strided_slice %get3A_122 {offsets = [0, 80], sizes = [128, 1], strides = [1, 1]} : vector<128x128xf32> to vector<128x1xf32>
    %squeeze3A_125 = vector.shape_cast %slice3A_124 : vector<128x1xf32> to vector<128xf32>
    %max3A_126 = arith.constant 1.000000e+00 : f32
    %max3A_127 = vector.broadcast %max3A_126 : f32 to vector<128xf32>
    %max3A_128 = arith.maximumf %squeeze3A_125, %max3A_127 : vector<128xf32>
    %div3A_129 = arith.constant 1.000000e+00 : f32
    %div3A_130 = vector.broadcast %div3A_129 : f32 to vector<128xf32>
    %div3A_131 = arith.divf %div3A_130, %max3A_128 : vector<128xf32>
    %broadcast_in_dim3A_132 = vector.shape_cast %div3A_131 : vector<128xf32> to vector<128x1xf32>
    %mul3A_133 = vector.broadcast %broadcast_in_dim3A_132 : vector<128x1xf32> to vector<128x80xf32>
    %mul3A_134 = arith.mulf %slice3A_123, %mul3A_133 : vector<128x80xf32>
    %get3A_135 = arith.constant 5 : index
    %get3A_136 = arith.constant 0 : index
    %get3A_137 = arith.constant 0 : index
    %get3A_138 = vector.load %arg1[%get3A_135, %get3A_136, %get3A_137] : memref<8x128x80xf32, #tpu.memory_space<vmem>>, vector<1x128x80xf32>
    %get3A_139 = vector.shape_cast %get3A_138 : vector<1x128x80xf32> to vector<128x80xf32>
    %dot_general3A_140 = arith.constant dense<0.000000e+00> : vector<128x128xf32>
    %dot_general3A_141 = tpu.matmul %get3A_139, %mul3A_134, %dot_general3A_140 {dimension_numbers = #tpu.dot_dimension_numbers<[1], [1], [0], [0], [0, 0, 1, 0], [], []>, transpose_lhs_hint = false} : vector<128x80xf32>, vector<128x80xf32>, vector<128x128xf32> -> vector<128x128xf32>
    %add3A_142 = arith.addf %add3A_117, %dot_general3A_141 : vector<128x128xf32>
    %get3A_143 = arith.constant 6 : index
    %get3A_144 = arith.constant 0 : index
    %get3A_145 = arith.constant 0 : index
    %get3A_146 = vector.load %arg2[%get3A_143, %get3A_144, %get3A_145] : memref<8x128x128xf32, #tpu.memory_space<vmem>>, vector<1x128x128xf32>
    %get3A_147 = vector.shape_cast %get3A_146 : vector<1x128x128xf32> to vector<128x128xf32>
    %slice3A_148 = vector.extract_strided_slice %get3A_147 {offsets = [0, 0], sizes = [128, 80], strides = [1, 1]} : vector<128x128xf32> to vector<128x80xf32>
    %slice3A_149 = vector.extract_strided_slice %get3A_147 {offsets = [0, 80], sizes = [128, 1], strides = [1, 1]} : vector<128x128xf32> to vector<128x1xf32>
    %squeeze3A_150 = vector.shape_cast %slice3A_149 : vector<128x1xf32> to vector<128xf32>
    %max3A_151 = arith.constant 1.000000e+00 : f32
    %max3A_152 = vector.broadcast %max3A_151 : f32 to vector<128xf32>
    %max3A_153 = arith.maximumf %squeeze3A_150, %max3A_152 : vector<128xf32>
    %div3A_154 = arith.constant 1.000000e+00 : f32
    %div3A_155 = vector.broadcast %div3A_154 : f32 to vector<128xf32>
    %div3A_156 = arith.divf %div3A_155, %max3A_153 : vector<128xf32>
    %broadcast_in_dim3A_157 = vector.shape_cast %div3A_156 : vector<128xf32> to vector<128x1xf32>
    %mul3A_158 = vector.broadcast %broadcast_in_dim3A_157 : vector<128x1xf32> to vector<128x80xf32>
    %mul3A_159 = arith.mulf %slice3A_148, %mul3A_158 : vector<128x80xf32>
    %get3A_160 = arith.constant 6 : index
    %get3A_161 = arith.constant 0 : index
    %get3A_162 = arith.constant 0 : index
    %get3A_163 = vector.load %arg1[%get3A_160, %get3A_161, %get3A_162] : memref<8x128x80xf32, #tpu.memory_space<vmem>>, vector<1x128x80xf32>
    %get3A_164 = vector.shape_cast %get3A_163 : vector<1x128x80xf32> to vector<128x80xf32>
    %dot_general3A_165 = arith.constant dense<0.000000e+00> : vector<128x128xf32>
    %dot_general3A_166 = tpu.matmul %get3A_164, %mul3A_159, %dot_general3A_165 {dimension_numbers = #tpu.dot_dimension_numbers<[1], [1], [0], [0], [0, 0, 1, 0], [], []>, transpose_lhs_hint = false} : vector<128x80xf32>, vector<128x80xf32>, vector<128x128xf32> -> vector<128x128xf32>
    %add3A_167 = arith.addf %add3A_142, %dot_general3A_166 : vector<128x128xf32>
    %get3A_168 = arith.constant 7 : index
    %get3A_169 = arith.constant 0 : index
    %get3A_170 = arith.constant 0 : index
    %get3A_171 = vector.load %arg2[%get3A_168, %get3A_169, %get3A_170] : memref<8x128x128xf32, #tpu.memory_space<vmem>>, vector<1x128x128xf32>
    %get3A_172 = vector.shape_cast %get3A_171 : vector<1x128x128xf32> to vector<128x128xf32>
    %slice3A_173 = vector.extract_strided_slice %get3A_172 {offsets = [0, 0], sizes = [128, 80], strides = [1, 1]} : vector<128x128xf32> to vector<128x80xf32>
    %slice3A_174 = vector.extract_strided_slice %get3A_172 {offsets = [0, 80], sizes = [128, 1], strides = [1, 1]} : vector<128x128xf32> to vector<128x1xf32>
    %squeeze3A_175 = vector.shape_cast %slice3A_174 : vector<128x1xf32> to vector<128xf32>
    %max3A_176 = arith.constant 1.000000e+00 : f32
    %max3A_177 = vector.broadcast %max3A_176 : f32 to vector<128xf32>
    %max3A_178 = arith.maximumf %squeeze3A_175, %max3A_177 : vector<128xf32>
    %div3A_179 = arith.constant 1.000000e+00 : f32
    %div3A_180 = vector.broadcast %div3A_179 : f32 to vector<128xf32>
    %div3A_181 = arith.divf %div3A_180, %max3A_178 : vector<128xf32>
    %broadcast_in_dim3A_182 = vector.shape_cast %div3A_181 : vector<128xf32> to vector<128x1xf32>
    %mul3A_183 = vector.broadcast %broadcast_in_dim3A_182 : vector<128x1xf32> to vector<128x80xf32>
    %mul3A_184 = arith.mulf %slice3A_173, %mul3A_183 : vector<128x80xf32>
    %get3A_185 = arith.constant 7 : index
    %get3A_186 = arith.constant 0 : index
    %get3A_187 = arith.constant 0 : index
    %get3A_188 = vector.load %arg1[%get3A_185, %get3A_186, %get3A_187] : memref<8x128x80xf32, #tpu.memory_space<vmem>>, vector<1x128x80xf32>
    %get3A_189 = vector.shape_cast %get3A_188 : vector<1x128x80xf32> to vector<128x80xf32>
    %dot_general3A_190 = arith.constant dense<0.000000e+00> : vector<128x128xf32>
    %dot_general3A_191 = tpu.matmul %get3A_189, %mul3A_184, %dot_general3A_190 {dimension_numbers = #tpu.dot_dimension_numbers<[1], [1], [0], [0], [0, 0, 1, 0], [], []>, transpose_lhs_hint = false} : vector<128x80xf32>, vector<128x80xf32>, vector<128x128xf32> -> vector<128x128xf32>
    %add3A_192 = arith.addf %add3A_167, %dot_general3A_191 : vector<128x128xf32>
    %get3A_193 = arith.constant 0 : index
    %get3A_194 = arith.constant 0 : index
    %get3A_195 = vector.load %arg3[%get3A_193, %get3A_194] : memref<128x1xf32, #tpu.memory_space<vmem>>, vector<128x1xf32>
    %mul3A_196 = vector.broadcast %get3A_195 : vector<128x1xf32> to vector<128x128xf32>
    %mul3A_197 = arith.mulf %add3A_192, %mul3A_196 : vector<128x128xf32>
    %get3A_198 = arith.constant 0 : index
    %get3A_199 = arith.constant 0 : index
    %get3A_200 = vector.load %arg4[%get3A_198, %get3A_199] : memref<128x1xf32, #tpu.memory_space<vmem>>, vector<128x1xf32>
    %add3A_201 = vector.broadcast %get3A_200 : vector<128x1xf32> to vector<128x128xf32>
    %add3A_202 = arith.addf %mul3A_197, %add3A_201 : vector<128x128xf32>
    %max3A_203 = arith.constant 0.000000e+00 : f32
    %max3A_204 = vector.broadcast %max3A_203 : f32 to vector<128x128xf32>
    %max3A_205 = arith.maximumf %add3A_202, %max3A_204 : vector<128x128xf32>
    %swap3A = arith.constant 0 : index
    %swap3A_206 = arith.constant 0 : index
    %swap3A_207 = vector.load %arg5[%swap3A, %swap3A_206] : memref<128x128xf32, #tpu.memory_space<vmem>>, vector<128x128xf32>
    tpu.vector_store %arg5[%swap3A, %swap3A_206], %max3A_205 {strides = array<i32>} : memref<128x128xf32, #tpu.memory_space<vmem>>, vector<128x128xf32>,
    return
  }
  func.func @transform_0(%arg0: i32) -> (i32, i32, i32) {
    %c0_i32 = arith.constant 0 : i32
    %c0_i32_0 = arith.constant 0 : i32
    %c0_i32_1 = arith.constant 0 : i32
    %c0_i32_2 = arith.constant 0 : i32
    return %c0_i32, %c0_i32_0, %c0_i32_1 : i32, i32, i32
  }
  func.func @transform_1(%arg0: i32) -> (i32, i32, i32) {
    %c0_i32 = arith.constant 0 : i32
    %c0_i32_0 = arith.constant 0 : i32
    %c0_i32_1 = arith.constant 0 : i32
    return %c0_i32, %arg0, %c0_i32_0 : i32, i32, i32
  }
  func.func @transform_2(%arg0: i32) -> (i32, i32) {
    %c0_i32 = arith.constant 0 : i32
    %c0_i32_0 = arith.constant 0 : i32
    %c0_i32_1 = arith.constant 0 : i32
    return %c0_i32, %c0_i32_0 : i32, i32
  }
  func.func @transform_3(%arg0: i32) -> (i32, i32) {
    %c0_i32 = arith.constant 0 : i32
    %c0_i32_0 = arith.constant 0 : i32
    %c0_i32_1 = arith.constant 0 : i32
    return %c0_i32, %c0_i32_0 : i32, i32
  }
  func.func @transform_4(%arg0: i32) -> (i32, i32) {
    %c0_i32 = arith.constant 0 : i32
    %c0_i32_0 = arith.constant 0 : i32
    return %c0_i32, %arg0 : i32, i32
  }
}

</mosaic_0001>

<sc_bundles>
// kernel: kernel.5.cloned.1.call-start
scs
__scs_entry_jumppad:
0x0: {  	(pc) =	sbr.rel $0x88, $3  }
0x1: {  	(tag) =	ssettag $0x0;
	lr =	simm.s32 $0x1  }
0x2: {  	[smem:$0x3F9A] =	sst lr;
	_ =	strace $0xD0000000  }
0x3: {  	_ = 	snop  }
0x4: {  	_ = 	snop  }
0x5: {  	_ = 	snop  }
0x6: {  	_ = 	snop  }
0x7: {  	_ = 	snop  }
__scs_overlays_trampoline_lowered:
0x8: {  	[smem:$0x3FA9] =	sst s0  }
0x9: {  	[smem:$0x3FAA] =	sst s1  }
0xa: {  	[smem:$0x3FAB] =	sst s2  }
0xb: {  	[smem:$0x3FAC] =	sst s3  }
0xc: {  	[smem:$0x3FAD] =	sst s4  }
0xd: {  	[smem:$0x3FAE] =	sst s5  }
0xe: {  	[smem:$0x3FAF] =	sst s6  }
0xf: {  	[smem:$0x3FB0] =	sst s7  }
0x10: {  	[smem:$0x3FB1] =	sst s8  }
0x11: {  	[smem:$0x3FB2] =	sst s9;
	s0 =	simm.s32 @!p0 $0x0  }
0x12: {  	s1 =	sld [smem:$0x3F98];
	s0 =	simm.s32 @p0 $0x1  }
0x13: {  	[smem:$0x3FB3] =	sst s0;
	s0 =	simm.s32 @!p1 $0x0  }
0x14: {  	s2 =	sld [smem:$0x3F97];
	s0 =	simm.s32 @p1 $0x1  }
0x15: {  	[smem:$0x3FB4] =	sst s0;
	s0 =	simm.s32 @!p2 $0x0  }
0x16: {  	s3 =	sld [smem:$0x3FDB];
	s0 =	simm.s32 @p2 $0x1  }
0x17: {  	s4 =	simm.s32 $0x1BF5;
	[smem:$0x3FB6] =	sst s0  }
0x18: {  	s0 =	sld [smem:$0x3F99];
	_ =	swait.ge [sflag:s4], $0x0  }
0x19: {  	s7 =	sld [smem:$0x3F9A]  }
0x1a: {  	s8 =	sadd.s32 $0xFFFFE003, lr  }
0x1b: {  	s9 =	sadd.s32 $0xFFFFFEF7, lr;
	s5 =	simm.s32 $0xFFFFFFFF;
	p2 =	slt.u32 s8, $0xFFFFF086  }
0x1c: {  	p1 =	slt.u32 s9, $0xF7A;
	s5 =	simm.s32 @!p2 $0x0  }
0x1d: {  	s5 =	simm.s32 @p1 $0x1;
	p0 =	seq.s32 s7, s2  }
0x1e: {  	s7 =	smul.u32 @!p0 $0xF7A, s2;
	p2 =	seq.s32 @!p0 s5, $0x0  }
0x1f: {  	s9 =	smul.u32 $0xF7A, s1;
	s8 =	simm.s32 @!p0 $0x1BF5;
	p2 =	por !p2, p0  }
0x20: {  	[sflag:s8] =	ssyncset.s32 @!p0 $0xFFFFF086;
	s6 =	sadd.s32 @!p0 s3, s7;
	s7 =	simm.s32 @!p0 $0x108  }
0x21: {  	s3 =	sadd.s32 s3, s9;
	s6 =	sadd.s32 @!p0 $0x88, s6;
	s7 =	simm.s32 @p2 $0x1082  }
0x22: {  	[simem:s7], [sflag:s8] =	dma.local @!p0 [hbm:s6], $0xF7A  }
0x23: {  	s9 =	sor.u32 $0xD0000000, s2;
	s6 =	simm.s32 $0x108;
	_ =	swait.ge @!p0 [sflag:s8], $0x0  }
0x24: {  	s3 =	sadd.s32 $0x88, s3;
	s6 =	simm.s32 @!p1 $0x1082;
	[sflag:s4] =	ssyncset.s32 $0xFFFFF086  }
0x25: {  	[simem:s6], [sflag:s4] =	dma.local [hbm:s3], $0xF7A  }
0x26: {  	[smem:$0x3F9A] =	sst s1;
	(tag) =	ssettag s2;
	_ =	strace s9  }
0x27: {  	s1 =	sld [smem:$0x3FAA]  }
0x28: {  	s2 =	sld [smem:$0x3FAB]  }
0x29: {  	s4 =	sld [smem:$0x3FAD]  }
0x2a: {  	p0 =	seq.s32 s5, $0x0;
	s5 =	sld [smem:$0x3FAE]  }
0x2b: {  	s6 =	sld [smem:$0x3FAF]  }
0x2c: {  	s7 =	sld [smem:$0x3FB0]  }
0x2d: {  	s3 =	simm.s32 $0x108;
	s8 =	sld [smem:$0x3FB1]  }
0x2e: {  	s3 =	simm.s32 @!p0 $0x1082;
	s9 =	sld [smem:$0x3FB2]  }
0x2f: {  	lr =	sadd.s32 s0, s3;
	s0 =	sld [smem:$0x3FA9]  }
0x30: {  	s3 =	sld [smem:$0x3FAC]  }
0x31: {  	[smem:$0x3FB5] =	sst s10  }
0x32: {  	s10 =	sld [smem:$0x3FB3];
	_ =	sdelay $0x3  }
0x33: {  	p0 =	seq.s32 s10, $0x1;
	s10 =	sld [smem:$0x3FB5];
	_ =	sdelay $0x3  }
0x34: {  	[smem:$0x3FB5] =	sst s10  }
0x35: {  	s10 =	sld [smem:$0x3FB4];
	_ =	sdelay $0x3  }
0x36: {  	p1 =	seq.s32 s10, $0x1;
	s10 =	sld [smem:$0x3FB5];
	_ =	sdelay $0x3  }
0x37: {  	[smem:$0x3FB5] =	sst s10  }
0x38: {  	s10 =	sld [smem:$0x3FB6]  }
0x39: {  	_ = 	snop;
	(pc) =	sbr.ind lr, $3  }
0x3a: {  	_ = 	snop  }
0x3b: {  	_ = 	snop  }
0x3c: {  	p2 =	seq.s32 s10, $0x1;
	s10 =	sld [smem:$0x3FB5]  }
0x3d: {  	_ =	shalt  }
0x3e: {  	_ =	shalt  }
0x3f: {  	_ =	shalt  }
0x40: {  	_ =	shalt  }
0x41: {  	_ =	shalt  }
0x42: {  	_ =	shalt  }
0x43: {  	_ =	shalt  }
0x44: {  	_ =	shalt  }
0x45: {  	_ =	shalt  }
0x46: {  	_ =	shalt  }
0x47: {  	_ =	shalt  }
0x48: {  	_ =	shalt  }
0x49: {  	_ =	shalt  }
0x4a: {  	_ =	shalt  }
0x4b: {  	_ =	shalt  }
0x4c: {  	_ =	shalt  }
0x4d: {  	_ =	shalt  }
0x4e: {  	_ =	shalt  }
0x4f: {  	_ =	shalt  }
0x50: {  	_ =	shalt  }
0x51: {  	_ =	shalt  }
0x52: {  	_ =	shalt  }
0x53: {  	_ =	shalt  }
0x54: {  	_ =	shalt  }
0x55: {  	_ =	shalt  }
0x56: {  	_ =	shalt  }
0x57: {  	_ =	shalt  }
0x58: {  	_ =	shalt  }
0x59: {  	_ =	shalt  }
0x5a: {  	_ =	shalt  }
0x5b: {  	_ =	shalt  }
0x5c: {  	_ =	shalt  }
0x5d: {  	_ =	shalt  }
0x5e: {  	_ =	shalt  }
0x5f: {  	_ =	shalt  }
0x60: {  	_ =	shalt  }
0x61: {  	_ =	shalt  }
0x62: {  	_ =	shalt  }
0x63: {  	_ =	shalt  }
0x64: {  	_ =	shalt  }
0x65: {  	_ =	shalt  }
0x66: {  	_ =	shalt  }
0x67: {  	_ =	shalt  }
0x68: {  	_ =	shalt  }
0x69: {  	_ =	shalt  }
0x6a: {  	_ =	shalt  }
0x6b: {  	_ =	shalt  }
0x6c: {  	_ =	shalt  }
0x6d: {  	_ =	shalt  }
0x6e: {  	_ =	shalt  }
0x6f: {  	_ =	shalt  }
0x70: {  	_ =	shalt  }
0x71: {  	_ =	shalt  }
0x72: {  	_ =	shalt  }
0x73: {  	_ =	shalt  }
0x74: {  	_ =	shalt  }
0x75: {  	_ =	shalt  }
0x76: {  	_ =	shalt  }
0x77: {  	_ =	shalt  }
0x78: {  	_ =	shalt  }
0x79: {  	_ =	shalt  }
0x7a: {  	_ =	shalt  }
0x7b: {  	_ =	shalt  }
0x7c: {  	_ =	shalt  }
0x7d: {  	_ =	shalt  }
0x7e: {  	_ =	shalt  }
0x7f: {  	_ =	shalt  }
0x80: {  	_ =	shalt  }
0x81: {  	_ =	shalt  }
0x82: {  	_ =	shalt  }
0x83: {  	_ =	shalt  }
0x84: {  	_ =	shalt  }
0x85: {  	_ =	shalt  }
0x86: {  	_ =	shalt  }
0x87: {  	_ =	shalt  }
.Lfunc_end0:
.L_simem_size_0:
called_computation_lowered:
.L_overlay_start_0:
0x88: {  	s2 =	sld [smem:$0x3FD9]  }
0x89: {  	s3 =	sld [smem:$0x3FFE];
	_ =	sdelay $0x1  }
0x8a: {  	s1 =	srdreg.scid  }
0x8b: {  	s0 =	sand.u32 $0x1, s1  }
0x8c: {  	s17 =	sshll.u32 s0, $0xA;
	s2 =	sadd.s32 s3, s2  }
0x8d: {  	s2 =	sadd.s32 s2, s17  }
0x8e: {  	[smem:$0x3FC1] =	sst s2  }
0x8f: {  	_ = 	snop  }
0x90: {  	s2 =	sld [smem:$0x3FD0];
	(tm) =	ssettm $0x1  }
0x91: {  	s18 =	sld [smem:$0x3FFB];
	_ =	sdelay $0x3  }
0x92: {  	_ =	strace s18  }
0x93: {  	s3 =	sld [smem:$0x3FFC];
	_ =	sdelay $0x3  }
0x94: {  	_ =	strace s3  }
0x95: {  	s3 =	sld [smem:$0x3FFD];
	_ =	sdelay $0x3  }
0x96: {  	_ =	strace s3  }
0x97: {  	_ =	strace $0x8FFFFFFF  }
0x98: {  	s19 =	sld [smem:$0x3FDB];
	_ =	sdelay $0x1  }
0x99: {  	s4 =	simm.s32 $_scs_section_size  }
0x9a: {  	s5 =	simm.s32 $_size__tile_overlayer_lowered;
	s6 =	simm.s32 $_tile_overlayer_lowered  }
0x9b: {  	s22 =	simm.s32 $0x1BFF;
	s21 =	sshll.u32 s6, $0x1;
	s3 =	sadd.s32 s4, s19  }
0x9c: {  	s7 =	simm.s32 $0x0;
	s20 =	sshll.u32 s5, $0x1;
	s5 =	sadd.s32 s21, s3  }
0x9d: {  	[timem:s7], [sflag:s22] =	dma.local [hbm:s5], s20  }
0x9e: {  	_ =	swait.ge [sflag:s22], s20  }
0x9f: {  	s4 =	ssub.s32 $0x0, s20;
	[sflag:s22] =	ssyncset.done $0x0  }
0xa0: {  	[sflag:s22] =	ssyncadd.s32 s4;
	_ =	sdelay $0x1  }
0xa1: {  	s23 =	simm.s32 $0x1B8B  }
0xa2: {  	_ =	swait.ge [sflag:s23], $0x1  }
0xa3: {  	[sflag:s23] =	ssyncset.done $0x0  }
0xa4: {  	s25 =	simm.s32 $0x1B8E;
	s24 =	sld [smem:$0x3FFE];
	[sflag:s23] =	ssyncadd.s32 $0xFFFFFFFF  }
0xa5: {  	s26 =	simm.s32 $execute0_lowered;
	[smem:$0x3FD2] =	sst s25  }
0xa6: {  	s5 =	sshll.u32 s26, $0x1;
	_ =	strace $0x80000046;
	[dreg:$0x1] =	wrdreg $0xFFFFFFFF  }
0xa7: {  	s28 =	simm.s32 $_size_execute0_lowered;
	s3 =	sadd.s32 s3, s5;
	[dreg:$0x0] =	wrdreg $0x0  }
0xa8: {  	s5 =	sshll.u32 s28, $0x1;
	[dreg:$0x2] =	wrdreg s3  }
0xa9: {  	[dreg:$0x3] =	wrdreg s5  }
0xaa: {  	[dreg:$0x4] =	wrdreg $0xC0  }
0xab: {  	_ =	task [dreg:s7], $0x5FFFF  }
0xac: {  	[dreg:$0x1] =	wrdreg $0xFFFFFFFF  }
0xad: {  	[dreg:$0x0] =	wrdreg $0x60  }
0xae: {  	[dreg:$0x2] =	wrdreg s24  }
0xaf: {  	[dreg:$0x3] =	wrdreg s2  }
0xb0: {  	[dreg:$0x4] =	wrdreg $0x0  }
0xb1: {  	[dreg:$0x5] =	wrdreg $0x9  }
0xb2: {  	_ =	task.clear_ibuf [dreg:s7], $0x6FFFF;
	_ =	strace $0x90000046  }
0xb3: {  	s29 =	simm.s32 $0x9;
	_ =	strace $0x80000048  }
0xb4: {  	_ =	swait.ge [sflag:s29], $0x1  }
0xb5: {  	[sflag:s29] =	ssyncadd.s32 $0xFFFFFFFF  }
0xb6: {  	_ =	strace $0x90000048  }
0xb7: {  	_ =	sfence  }
0xb8: {  	s30 =	sld [smem:$0x0];
	_ =	sdelay $0x2  }
0xb9: {  	s31 =	sshll.u32 s1, $0xD;
	s1 =	sshrl.u32 s1, $0x2  }
0xba: {  	s3 =	sand.u32 $0x4000, s31;
	s1 =	sadd.s32 s1, s30  }
0xbb: {  	s0 =	sor.u32 s3, s0;
	s1 =	sshll.u32 s1, $0x11  }
0xbc: {  	s0 =	sor.u32 s1, s0  }
0xbd: {  	s0 =	sadd.s32 $0x8F2B, s0  }
0xbe: {  	[sflag:s0] =	ssyncadd.remote.s32 $0x1  }
0xbf: {  	_ =	sfence.sel $0xFFFF  }
0xc0: {  	[dreg:$0x0] =	wrdreg $0xFFFFFFFF;
	(pc) =	sbr.abs _section_cstart, $3  }
0xc1: {  	[dreg:$0x1] =	wrdreg $0xFFFFFFFF  }
0xc2: {  	_ =	task.clear_ibuf [dreg:s7], $0x2FFFF;
	_ =	strace $0x9FFFFFFF  }
0xc3: {  	(tm) =	ssettm $0x7FFFFFFF  }
tec
execute0_lowered:
.L_overlay_start_1:
0x0: {  	(tag) =	ssettag $0x1  }
0x1: {  	s0 =	rddreg [dreg:$0x0]  }
0x2: {  	s1 =	rddreg [dreg:$0x1];
	s9 =	stileid.u32  }
0x3: {  	s3 =	rddreg [dreg:$0x2];
	s10 =	simm.s32 $0x0;
	s4 =	smul.u32 $0x40800, s9  }
0x4: {  	s2 =	srdreg.scid;
	s28 =	simm.s32 $0x11B00;
	s29 =	simm.s32 $0x40  }
0x5: {  	s30 =	simm.s32 $0x14D00;
	s31 =	simm.s32 $0x15100;
	s4 =	sshrl.u32 s4, $0x2  }
0x6: {  	[smem:$0x7FF] =	sst s10;
	s2 =	sand.u32 $0x1, s2;
	s4 =	sadd.s32 s4, s3  }
0x7: {  	_ =	strace $0x80000047;
	[dreg:$0x5] =	wrdreg s2;
	s15 =	sadd.s32 $0x1580, s4  }
0x8: {  	s6 =	sadd.s32 $0x631A00, s0;
	s16 =	sadd.s32 $0x2B00, s4;
	[dreg:$0x6] =	wrdreg s15  }
0x9: {  	s5 =	sshll.u32 s9, $0xD;
	s17 =	sadd.s32 $0x4080, s4;
	[dreg:$0x7] =	wrdreg s16  }
0xa: {  	s8 =	smul.u32 $0x6300, s9;
	s18 =	sadd.s32 $0x5600, s4;
	[dreg:$0x8] =	wrdreg s17  }
0xb: {  	s25 =	sshll.u32 s9, $0x10;
	s19 =	sadd.s32 $0x6B80, s4;
	[dreg:$0x9] =	wrdreg s18  }
0xc: {  	s2 =	ssub.s32 $0x2, s2;
	s20 =	sadd.s32 $0x8100, s4;
	[dreg:$0xa] =	wrdreg s19  }
0xd: {  	s0 =	sadd.s32 s5, s0;
	s21 =	sadd.s32 $0x9680, s4;
	[dreg:$0xb] =	wrdreg s20  }
0xe: {  	s7 =	sshrl.u32 s2, $0x1;
	s22 =	sadd.s32 $0xAC00, s4;
	[dreg:$0xc] =	wrdreg s21  }
0xf: {  	s2 =	ssub.s32 s2, s7;
	s23 =	sadd.s32 $0xC180, s4;
	[dreg:$0xd] =	wrdreg s22  }
0x10: {  	s24 =	sadd.s32 $0xD700, s4;
	s26 =	smax.u32 s2, $0x1;
	[dreg:$0xe] =	wrdreg s23  }
.Ltmp0:
0x11: {  	[dreg:$0xf] =	wrdreg s24;
	s17 =	smov.u32 s4;
	(pc) =	sbr.rel .LBB2_1-.Ltmp0, $4  }
0x12: {  	s18 =	sadd.s32 $0xEC80, s4;
	s4 =	sadd.s32 s25, s3;
	s20 =	sadd.s32 $0x1A00, s0  }
0x13: {  	[dreg:$0x10] =	wrdreg s26;
	s22 =	simm.s32 $0x1D100;
	s23 =	simm.s32 $0x3  }
0x14: {  	v0 =	vlaneseq.u32;
	s24 =	simm.s32 $0x10200;
	s26 =	simm.s32 $0x13400;
	s0 =	simm.s32 $0x1  }
0x15: {  	v1 =	vimm.f32 $0.0e+00;
	v2 =	vimm.s32 $0x0;
	v3 =	vor.u32 $0x2000, v0;
	s21 =	simm.s32 $0x14F00;
	s25 =	sshrl.u32 s4, $0x3;
	s4 =	simm.s32 $0x2  }
.LBB2_20:
0x16: {  	s10 =	rddreg [dreg:$0x4]  }
0x17: {  	s2 =	rddreg [dreg:$0x10];
	s10 =	sadd.s32 $0x1, s10  }
0x18: {  	p0 =	sne.s32 s10, s2  }
.Ltmp1:
0x19: {  	_ = 	snop;
	(pc) =	sbr.rel @!p0 .LBB2_21-.Ltmp1, $1  }
0x1a: {  	_ =	sdelay $0x3  }
.LBB2_1:
0x1b: {  	[dreg:$0x4] =	wrdreg s10;
	s5 =	simm.s32 $0x0;
	s2 =	simm.s32 $0x200  }
.LBB2_2:
0x1c: {  	p0 =	sne.s32 s2, $0x5400;
	[tilespmem:s5+$0x1D170] =	vst v1  }
0x1d: {  	[tilespmem:s5+$0x1D100] =	vst v1  }
0x1e: {  	[tilespmem:s5+$0x1D110] =	vst v1  }
.Ltmp2:
0x1f: {  	[tilespmem:s5+$0x1D120] =	vst v1;
	(pc) =	sbr.rel @p0 .LBB2_2-.Ltmp2, $4  }
0x20: {  	[tilespmem:s5+$0x1D130] =	vst v1  }
0x21: {  	[tilespmem:s5+$0x1D140] =	vst v1  }
0x22: {  	[tilespmem:s5+$0x1D150] =	vst v1  }
0x23: {  	[tilespmem:s5+$0x1D160] =	vst v1;
	s5 =	sshra.s32 s2, $0x2;
	s2 =	sadd.s32 $0x200, s2  }
0x24: {  	[tilespmem:s5+$0x1D170] =	vst v1  }
0x25: {  	[tilespmem:s5+$0x1D100] =	vst v1  }
0x26: {  	[tilespmem:s5+$0x1D110] =	vst v1  }
.Ltmp3:
0x27: {  	[tilespmem:s5+$0x1D120] =	vst v1;
	(pc) =	sbr.rel .LBB2_4-.Ltmp3, $4  }
0x28: {  	[tilespmem:s5+$0x1D130] =	vst v1  }
0x29: {  	[tilespmem:s5+$0x1D140] =	vst v1  }
0x2a: {  	[tilespmem:s5+$0x1D150] =	vst v1  }
0x2b: {  	s2 =	simm.s32 $0x0;
	[tilespmem:s5+$0x1D160] =	vst v1  }
.LBB2_19:
0x2c: {  	s5 =	sshll.u32 s5, $0x11;
	s7 =	stileid.u32  }
0x2d: {  	[bflag:$0x0] =	sbarrier.arrive $0xFFFF;
	s2 =	sadd.s32 $0x1, s2;
	s7 =	sshll.u32 s7, $0x6  }
0x2e: {  	s5 =	sadd.s32 s5, s20;
	p0 =	sne.s32 s2, $0x8;
	s7 =	sor.u32 $0x1C03, s7  }
0x2f: {  	[hbm:s5], [sflag:s7] =	dma.local [spmem:s25], $0x2000  }
.Ltmp4:
0x30: {  	_ =	swait.ge [sflag:s23], $0x2000;
	(pc) =	sbr.rel @!p0 .LBB2_20-.Ltmp4, $3  }
0x31: {  	[sflag:s23] =	ssyncset.done $0x0  }
0x32: {  	[sflag:s23] =	ssyncadd.s32 $0xFFFFE000  }
0x33: {  	[bflag:$0x0] =	sbarrier.arrive $0xFFFF;
	_ =	sdelay $0x1  }
.LBB2_4:
0x34: {  	[spmem:s17] =	stream.linear.scatter [tilespmem:s22], [sflag:$0x3], $0x1580, $0x38;
	[tilespmem:$0x1E900] =	vst v63  }
0x35: {  	_ =	swait.ge [sflag:s23], $0x1580  }
0x36: {  	[sflag:s23] =	ssyncset.done $0x0  }
0x37: {  	s5 =	rddreg [dreg:$0x6];
	[sflag:s23] =	ssyncadd.s32 $0xFFFFEA80  }
0x38: {  	[spmem:s5] =	stream.linear.scatter [tilespmem:s22], [sflag:$0x3], $0x1580, $0x38;
	[tilespmem:$0x1E900] =	vst v63  }
0x39: {  	_ =	swait.ge [sflag:s23], $0x1580  }
0x3a: {  	[sflag:s23] =	ssyncset.done $0x0  }
0x3b: {  	s7 =	rddreg [dreg:$0x7];
	[sflag:s23] =	ssyncadd.s32 $0xFFFFEA80  }
0x3c: {  	[spmem:s7] =	stream.linear.scatter [tilespmem:s22], [sflag:$0x3], $0x1580, $0x38;
	[tilespmem:$0x1E900] =	vst v63  }
0x3d: {  	_ =	swait.ge [sflag:s23], $0x1580  }
0x3e: {  	[sflag:s23] =	ssyncset.done $0x0  }
0x3f: {  	s9 =	rddreg [dreg:$0x8];
	[sflag:s23] =	ssyncadd.s32 $0xFFFFEA80  }
0x40: {  	[spmem:s9] =	stream.linear.scatter [tilespmem:s22], [sflag:$0x3], $0x1580, $0x38;
	[tilespmem:$0x1E900] =	vst v63  }
0x41: {  	_ =	swait.ge [sflag:s23], $0x1580  }
0x42: {  	[sflag:s23] =	ssyncset.done $0x0  }
0x43: {  	s10 =	rddreg [dreg:$0x9];
	[sflag:s23] =	ssyncadd.s32 $0xFFFFEA80  }
0x44: {  	[spmem:s10] =	stream.linear.scatter [tilespmem:s22], [sflag:$0x3], $0x1580, $0x38;
	[tilespmem:$0x1E900] =	vst v63  }
0x45: {  	_ =	swait.ge [sflag:s23], $0x1580  }
0x46: {  	[sflag:s23] =	ssyncset.done $0x0  }
0x47: {  	s11 =	rddreg [dreg:$0xa];
	[sflag:s23] =	ssyncadd.s32 $0xFFFFEA80  }
0x48: {  	[spmem:s11] =	stream.linear.scatter [tilespmem:s22], [sflag:$0x3], $0x1580, $0x38;
	[tilespmem:$0x1E900] =	vst v63  }
0x49: {  	_ =	swait.ge [sflag:s23], $0x1580  }
0x4a: {  	[sflag:s23] =	ssyncset.done $0x0  }
0x4b: {  	s12 =	rddreg [dreg:$0xb];
	[sflag:s23] =	ssyncadd.s32 $0xFFFFEA80  }
0x4c: {  	[spmem:s12] =	stream.linear.scatter [tilespmem:s22], [sflag:$0x3], $0x1580, $0x38;
	[tilespmem:$0x1E900] =	vst v63  }
0x4d: {  	_ =	swait.ge [sflag:s23], $0x1580  }
0x4e: {  	[sflag:s23] =	ssyncset.done $0x0  }
0x4f: {  	s13 =	rddreg [dreg:$0xc];
	[sflag:s23] =	ssyncadd.s32 $0xFFFFEA80  }
0x50: {  	[spmem:s13] =	stream.linear.scatter [tilespmem:s22], [sflag:$0x3], $0x1580, $0x38;
	[tilespmem:$0x1E900] =	vst v63  }
0x51: {  	_ =	swait.ge [sflag:s23], $0x1580  }
0x52: {  	[sflag:s23] =	ssyncset.done $0x0  }
0x53: {  	s14 =	rddreg [dreg:$0xd];
	[sflag:s23] =	ssyncadd.s32 $0xFFFFEA80  }
0x54: {  	[spmem:s14] =	stream.linear.scatter [tilespmem:s22], [sflag:$0x3], $0x1580, $0x38;
	[tilespmem:$0x1E900] =	vst v63  }
0x55: {  	_ =	swait.ge [sflag:s23], $0x1580  }
0x56: {  	[sflag:s23] =	ssyncset.done $0x0  }
0x57: {  	s15 =	rddreg [dreg:$0xe];
	[sflag:s23] =	ssyncadd.s32 $0xFFFFEA80  }
0x58: {  	[spmem:s15] =	stream.linear.scatter [tilespmem:s22], [sflag:$0x3], $0x1580, $0x38;
	[tilespmem:$0x1E900] =	vst v63  }
0x59: {  	_ =	swait.ge [sflag:s23], $0x1580  }
0x5a: {  	[sflag:s23] =	ssyncset.done $0x0  }
0x5b: {  	s16 =	rddreg [dreg:$0xf];
	[sflag:s23] =	ssyncadd.s32 $0xFFFFEA80  }
0x5c: {  	[spmem:s16] =	stream.linear.scatter [tilespmem:s22], [sflag:$0x3], $0x1580, $0x38;
	[tilespmem:$0x1E900] =	vst v63  }
0x5d: {  	_ =	swait.ge [sflag:s23], $0x1580  }
0x5e: {  	[sflag:s23] =	ssyncset.done $0x0  }
0x5f: {  	[sflag:s23] =	ssyncadd.s32 $0xFFFFEA80  }
0x60: {  	[spmem:s18] =	stream.linear.scatter [tilespmem:s22], [sflag:$0x3], $0x1580, $0x38;
	[tilespmem:$0x1E900] =	vst v63  }
.Ltmp5:
0x61: {  	_ =	swait.ge [sflag:s23], $0x1580;
	(pc) =	sbr.rel .LBB2_5-.Ltmp5, $4  }
0x62: {  	[sflag:s23] =	ssyncset.done $0x0  }
0x63: {  	s19 =	sshll.u32 s2, $0x1;
	s7 =	rddreg [dreg:$0x5];
	[sflag:s23] =	ssyncadd.s32 $0xFFFFEA80  }
0x64: {  	s5 =	sor.u32 s7, s19;
	[bflag:$0x0] =	sbarrier.arrive $0xFFFF  }
0x65: {  	s9 =	simm.s32 $0x0;
	s19 =	smov.u32 s8;
	v4 =	vmov s5  }
.LBB2_17:
0x66: {  	[sflag:s4] =	ssyncadd.s32 $0xFFFFE000  }
.LBB2_18:
0x67: {  	s9 =	sadd.s32 $0x1, s9  }
0x68: {  	p0 =	sne.s32 s9, $0x4  }
.Ltmp6:
0x69: {  	_ = 	snop;
	(pc) =	sbr.rel @!p0 .LBB2_19-.Ltmp6, $2  }
0x6a: {  	_ =	sdelay $0x2  }
0x6b: {  	s19 =	sadd.s32 $0x18C0, s19  }
.LBB2_5:
0x6c: {  	s7 =	smul.u32 $0x18C0, s9;
	_ =	sdelay $0x1  }
0x6d: {  	s7 =	sadd.s32 s8, s7  }
0x6e: {  	s7 =	sshrl.u32 s7, $0x3  }
0x6f: {  	s10 =	sadd.s32 s1, s7;
	s7 =	simm.s32 $0x0  }
0x70: {  	[tilespmem:s24], [sflag:$0x3] =	stream.linear.gather [hbm4b:s10+s7], $0x18C0, $0x38;
	[tilespmem:$0x1E900] =	vst v63  }
0x71: {  	_ =	swait.ge [sflag:s23], $0x18C0  }
0x72: {  	[sflag:s23] =	ssyncset.done $0x0  }
0x73: {  	s16 =	simm.s32 $0x0;
	[sflag:s23] =	ssyncadd.s32 $0xFFFFE740  }
0x74: {  	v5 =	vld [tilespmem:s16+$0x10200];
	_ =	sdelay $0x4  }
0x75: {  	v6 =	vshra.s32 v5, $0xD  }
0x76: {  	vm0 =	veq.s32 v6, v4  }
0x77: {  	v6 =	vsel vm0, $0x1, v2  }
0x78: {  	(xrf0) =	vadd.scan.msk.s32 $0xffff, v6;
	_ =	sdelay $0x4  }
0x79: {  	v6 =	vsel vm0, $0xFFFFFFFF, v2  }
0x7a: {  	v6 =	vadd.s32 s7, v6;
	v7, _, _ =	vpop (xrf0)  }
0x7b: {  	v6 =	vadd.s32 v7, v6;
	(v2sf) =	vpush v7, $0xF;
	_ =	sdelay $0x3  }
0x7c: {  	v5 =	vand.u32 $0x1FFF, v5  }
0x7d: {  	[tilespmem:v6+s26+$0x0] =	vst.idx.msk vm0, v5;
	v5 =	vor.u32 s19, v0  }
0x7e: {  	s12 =	simm.s32 $0x10;
	s11 =	simm.s32 $0x80;
	s10 =	smov.u32 s19;
	[tilespmem:v6+s28+$0x0] =	vst.idx.msk vm0, v5  }
.LBB2_6:
0x7f: {  	p0 =	sne.s32 s11, $0x62C0;
	v5 =	vld [tilespmem:s12+$0x10200];
	_ =	sdelay $0x4  }
0x80: {  	v6 =	vshra.s32 v5, $0xD;
	v5 =	vand.u32 $0x1FFF, v5  }
0x81: {  	vm0 =	veq.s32 v6, v4  }
0x82: {  	v6 =	vsel vm0, $0xFFFFFFFF, v2;
	v7 =	vsel vm0, $0x1, v2  }
0x83: {  	(xrf0) =	vadd.scan.msk.s32 $0xffff, v7;
	s12 =	spop (v2sf)  }
0x84: {  	s7 =	sadd.s32 s7, s12  }
0x85: {  	v6 =	vadd.s32 s7, v6;
	_ =	sdelay $0x3  }
0x86: {  	v7, _, _ =	vpop (xrf0)  }
0x87: {  	v6 =	vadd.s32 v7, v6;
	(v2sf) =	vpush v7, $0xF;
	_ =	sdelay $0x1  }
.Ltmp7:
0x88: {  	(pc) =	sbr.rel @p0 .LBB2_6-.Ltmp7, $4  }
0x89: {  	_ = 	snop  }
0x8a: {  	s10 =	sadd.s32 $0x10, s10  }
0x8b: {  	v7 =	vor.u32 s10, v0;
	[tilespmem:v6+s26+$0x0] =	vst.idx.msk vm0, v5  }
0x8c: {  	s12 =	sshra.s32 s11, $0x2;
	s11 =	sadd.s32 $0x40, s11;
	[tilespmem:v6+s28+$0x0] =	vst.idx.msk vm0, v7  }
0x8d: {  	v5 =	vld [tilespmem:s12+$0x10200];
	_ =	sdelay $0x4  }
0x8e: {  	v6 =	vshra.s32 v5, $0xD  }
0x8f: {  	vm0 =	veq.s32 v6, v4  }
0x90: {  	v6 =	vsel vm0, $0x1, v2  }
0x91: {  	(xrf0) =	vadd.scan.msk.s32 $0xffff, v6;
	_ =	sdelay $0x5  }
0x92: {  	v6, _, _ =	vpop (xrf0)  }
0x93: {  	(v2sf) =	vpush v6, $0xF;
	_ =	sdelay $0x9  }
0x94: {  	s11 =	spop (v2sf)  }
0x95: {  	v7 =	vsel vm0, $0xFFFFFFFF, v2;
	s16 =	sadd.s32 s7, s11  }
0x96: {  	v7 =	vadd.s32 s16, v7  }
0x97: {  	v6 =	vadd.s32 v6, v7;
	_ =	sdelay $0x1  }
0x98: {  	s13 =	spop (v2sf)  }
0x99: {  	s7 =	sadd.s32 s16, s13  }
0x9a: {  	v5 =	vand.u32 $0x1FFF, v5;
	s14 =	sadd.s32 $0x0, s7  }
0x9b: {  	[tilespmem:v6+s26+$0x0] =	vst.idx.msk vm0, v5;
	v5 =	vadd.s32 s14, v0;
	_ =	sdelay $0x1  }
0x9c: {  	s10 =	sadd.s32 $0x10, s10  }
0x9d: {  	s11 =	simm.s32 $0x0;
	v7 =	vor.u32 s10, v0  }
0x9e: {  	s12 =	simm.s32 $0x10;
	[tilespmem:v6+s28+$0x0] =	vst.idx.msk vm0, v7;
	v6 =	vor.u32 s11, v3;
	s10 =	sadd.s32 s16, s13  }
.LBB2_8:
0x9f: {  	s13 =	sadd.s32 s12, s7;
	v7 =	vor.u32 s11, v0;
	[tilespmem:v5+s26+$0x0] =	vst.idx.msk $0xffff, v6;
	s11 =	smov.u32 s12;
	p0 =	sne.s32 s12, $0x30  }
.Ltmp8:
0xa0: {  	s12 =	sadd.s32 $0x10, s12;
	[tilespmem:v5+s28+$0x0] =	vst.idx.msk $0xffff, v7;
	v5 =	vadd.s32 s13, v0;
	(pc) =	sbr.rel @p0 .LBB2_8-.Ltmp8, $2  }
0xa1: {  	_ =	sdelay $0x2  }
0xa2: {  	v6 =	vor.u32 s11, v3  }
0xa3: {  	s7 =	sadd.s32 $0x3F, s10  }
0xa4: {  	s10 =	sshra.s32 s7, $0x6  }
0xa5: {  	p0 =	sgt.s32 s10, $0x0  }
.Ltmp9:
0xa6: {  	_ = 	snop;
	(pc) =	sbr.rel @!p0 .LBB2_14-.Ltmp9, $3  }
0xa7: {  	_ =	sdelay $0x1  }
0xa8: {  	v7 =	vor.u32 s11, v0;
	[tilespmem:v5+s26+$0x0] =	vst.idx.msk $0xffff, v6  }
0xa9: {  	[tilespmem:v5+s28+$0x0] =	vst.idx.msk $0xffff, v7  }
0xaa: {  	v5 =	vld [tilespmem:$0x11B00]  }
0xab: {  	v6 =	vld [tilespmem:$0x11B10]  }
0xac: {  	v7 =	vld [tilespmem:$0x11B20]  }
0xad: {  	v8 =	vld [tilespmem:$0x11B30];
	_ =	sdelay $0x1  }
0xae: {  	[tilespmem:$0x14D00] =	vst v5  }
0xaf: {  	[tilespmem:$0x14D10] =	vst v6  }
0xb0: {  	[tilespmem:$0x14D20] =	vst v7  }
0xb1: {  	p0 =	seq.s32 s10, $0x1;
	[tilespmem:$0x14D30] =	vst v8  }
0xb2: {  	[tilespmem:s31], [sflag:$0x1] =	stream.indirect.gather [hbm4b:s6+s29], $0x80, s30, s29, $0xb8;
	[tilespmem:$0x1E900] =	vst v63  }
0xb3: {  	v5 =	vld @!p0 [tilespmem:$0x11B40]  }
0xb4: {  	v6 =	vld @!p0 [tilespmem:$0x11B50]  }
0xb5: {  	v7 =	vld @!p0 [tilespmem:$0x11B60]  }
0xb6: {  	v8 =	vld @!p0 [tilespmem:$0x11B70];
	_ =	sdelay $0x1  }
0xb7: {  	[tilespmem:$0x14D80] =	vst @!p0 v5  }
0xb8: {  	[tilespmem:$0x14D90] =	vst @!p0 v6  }
0xb9: {  	s7 =	simm.s32 @!p0 $0x40;
	p1 =	slt.u32 @!p0 s10, $0x3;
	[tilespmem:$0x14DA0] =	vst @!p0 v7  }
0xba: {  	s12 =	simm.s32 @!p0 $0x14D80;
	s11 =	simm.s32 @!p0 $0x17100;
	p1 =	por p1, p0;
	[tilespmem:$0x14DB0] =	vst @!p0 v8  }
0xbb: {  	[tilespmem:s11], [sflag:$0x1] =	stream.indirect.gather @!p0 [hbm4b:s6+s7], $0x80, s12, s7, $0xb8;
	[tilespmem:$0x1E900] =	vst v63  }
0xbc: {  	v5 =	vld @!p1 [tilespmem:$0x11B80]  }
0xbd: {  	v6 =	vld @!p1 [tilespmem:$0x11B90]  }
0xbe: {  	v7 =	vld @!p1 [tilespmem:$0x11BA0]  }
0xbf: {  	v8 =	vld @!p1 [tilespmem:$0x11BB0];
	_ =	sdelay $0x1  }
0xc0: {  	[tilespmem:$0x14E00] =	vst @!p1 v5  }
0xc1: {  	[tilespmem:$0x14E10] =	vst @!p1 v6  }
0xc2: {  	[tilespmem:$0x14E20] =	vst @!p1 v7  }
0xc3: {  	s13 =	simm.s32 @!p1 $0x14E00;
	s14 =	simm.s32 @!p1 $0x19100;
	s12 =	simm.s32 @!p1 $0x40;
	[tilespmem:$0x14E30] =	vst @!p1 v8  }
0xc4: {  	[tilespmem:s14], [sflag:$0x1] =	stream.indirect.gather @!p1 [hbm4b:s6+s12], $0x80, s13, s12, $0xb8;
	[tilespmem:$0x1E900] =	vst v63  }
0xc5: {  	_ =	swait.ge [sflag:s0], $0x2000  }
0xc6: {  	[sflag:s0] =	ssyncset.done $0x0  }
0xc7: {  	[sflag:s0] =	ssyncadd.s32 $0xFFFFE000  }
0xc8: {  	v5 =	vld [tilespmem:$0x13400]  }
0xc9: {  	v6 =	vld [tilespmem:$0x13410]  }
0xca: {  	v7 =	vld [tilespmem:$0x13420]  }
0xcb: {  	v63 =	vld [tilespmem:$0x13430];
	_ =	sdelay $0x1  }
0xcc: {  	[tilespmem:$0x14F00] =	vst v5  }
0xcd: {  	[tilespmem:$0x14F10] =	vst v6  }
0xce: {  	p1 =	slt.u32 @!p0 s10, $0x4;
	[tilespmem:$0x14F20] =	vst v7  }
0xcf: {  	p1 =	por p1, p0;
	[tilespmem:$0x14F30] =	vst v63  }
0xd0: {  	[spmem:s3] =	stream.indirect.scatter.add.f32 [tilespmem:s31], [sflag:$0x2], $0x80, s21, s29, $0xb8;
	[tilespmem:$0x1E900] =	vst v63  }
0xd1: {  	v5 =	vld @!p1 [tilespmem:$0x11BC0]  }
0xd2: {  	v6 =	vld @!p1 [tilespmem:$0x11BD0]  }
0xd3: {  	v7 =	vld @!p1 [tilespmem:$0x11BE0]  }
0xd4: {  	v8 =	vld @!p1 [tilespmem:$0x11BF0];
	_ =	sdelay $0x1  }
0xd5: {  	[tilespmem:$0x14E80] =	vst @!p1 v5  }
0xd6: {  	[tilespmem:$0x14E90] =	vst @!p1 v6  }
0xd7: {  	[tilespmem:$0x14EA0] =	vst @!p1 v7  }
0xd8: {  	s12 =	simm.s32 @!p1 $0x40;
	s13 =	simm.s32 @!p1 $0x14E80;
	s14 =	simm.s32 @!p1 $0x1B100;
	[tilespmem:$0x14EB0] =	vst @!p1 v8  }
0xd9: {  	[tilespmem:s14], [sflag:$0x1] =	stream.indirect.gather @!p1 [hbm4b:s6+s12], $0x80, s13, s12, $0xb8;
	[tilespmem:$0x1E900] =	vst v63  }
0xda: {  	s12 =	simm.s32 @!p0 $0x1  }
0xdb: {  	_ =	swait.ge @!p0 [sflag:s12], $0x2000  }
0xdc: {  	[sflag:s12] =	ssyncset.done @!p0 $0x0  }
0xdd: {  	[sflag:s12] =	ssyncadd.s32 @!p0 $0xFFFFE000  }
0xde: {  	v5 =	vld @!p0 [tilespmem:$0x13440]  }
0xdf: {  	v6 =	vld @!p0 [tilespmem:$0x13450]  }
0xe0: {  	v7 =	vld @!p0 [tilespmem:$0x13460]  }
0xe1: {  	p1 =	seq.s32 @!p0 s10, $0x2;
	v8 =	vld @!p0 [tilespmem:$0x13470]  }
0xe2: {  	p1 =	por p0, p1  }
.Ltmp10:
0xe3: {  	[tilespmem:$0x14F80] =	vst @!p0 v5;
	(pc) =	sbr.rel @p1 .LBB2_14-.Ltmp10, $4  }
0xe4: {  	[tilespmem:$0x14F90] =	vst @!p0 v6  }
0xe5: {  	[tilespmem:$0x14FA0] =	vst @!p0 v7  }
0xe6: {  	s12 =	simm.s32 @!p0 $0x14F80;
	[tilespmem:$0x14FB0] =	vst @!p0 v8  }
0xe7: {  	[spmem:s3] =	stream.indirect.scatter.add.f32 @!p0 [tilespmem:s11], [sflag:$0x2], $0x80, s12, s7, $0xb8;
	[tilespmem:$0x1E900] =	vst v63  }
0xe8: {  	_ =	swait.ge [sflag:s4], $0x2000  }
0xe9: {  	s11 =	simm.s32 @!p0 $0x2;
	s7 =	simm.s32 @!p0 $0x134B0;
	[sflag:s4] =	ssyncset.done $0x0  }
0xea: {  	s12 =	simm.s32 @!p0 $0x11C30;
	p0 =	sle.s32 s10, $0x4;
	[sflag:s4] =	ssyncadd.s32 $0xFFFFE000  }
0xeb: {  	v5 =	vld @!p0 [tilespmem:s12+$0xFFFFFFD0];
	_ =	sdelay $0x1  }
0xec: {  	s13 =	simm.s32 $0x4  }
0xed: {  	s13 =	sand.u32 @!p0 $0x3, s13  }
0xee: {  	s14 =	sshll.u32 @!p0 s13, $0x7  }
0xef: {  	[tilespmem:s14+$0x14D00] =	vst @!p0 v5  }
0xf0: {  	v5 =	vld @!p0 [tilespmem:s12+$0xFFFFFFE0];
	_ =	sdelay $0x4  }
0xf1: {  	[tilespmem:s14+$0x14D10] =	vst @!p0 v5  }
0xf2: {  	v5 =	vld @!p0 [tilespmem:s12+$0xFFFFFFF0];
	_ =	sdelay $0x4  }
0xf3: {  	[tilespmem:s14+$0x14D20] =	vst @!p0 v5  }
0xf4: {  	v5 =	vld @!p0 [tilespmem:s12+$0x0];
	_ =	sdelay $0x3  }
0xf5: {  	s12 =	sshll.u32 @!p0 s13, $0xD  }
0xf6: {  	s13 =	sadd.s32 @!p0 $0x14D00, s14;
	s12 =	sadd.s32 @!p0 $0x15100, s12;
	[tilespmem:s14+$0x14D30] =	vst @!p0 v5;
	s14 =	simm.s32 @!p0 $0x40  }
0xf7: {  	[tilespmem:s12], [sflag:$0x1] =	stream.indirect.gather @!p0 [hbm4b:s6+s14], $0x80, s13, s14, $0xb8;
	[tilespmem:$0x1E900] =	vst v63  }
0xf8: {  	_ =	swait.ge [sflag:s0], $0x2000  }
0xf9: {  	[sflag:s0] =	ssyncset.done $0x0  }
0xfa: {  	[sflag:s0] =	ssyncadd.s32 $0xFFFFE000  }
0xfb: {  	v5 =	vld [tilespmem:s7+$0xFFFFFFD0];
	_ =	sdelay $0x2  }
0xfc: {  	s16 =	sand.u32 $0x3, s11  }
0xfd: {  	s15 =	sshll.u32 s16, $0x7  }
0xfe: {  	[tilespmem:s15+$0x14F00] =	vst v5  }
0xff: {  	v5 =	vld [tilespmem:s7+$0xFFFFFFE0];
	_ =	sdelay $0x4  }
0x100: {  	[tilespmem:s15+$0x14F10] =	vst v5  }
0x101: {  	v5 =	vld [tilespmem:s7+$0xFFFFFFF0];
	_ =	sdelay $0x4  }
0x102: {  	[tilespmem:s15+$0x14F20] =	vst v5  }
0x103: {  	p0 =	sne.s32 s10, $0x3;
	v5 =	vld [tilespmem:s7+$0x0]  }
.Ltmp11:
0x104: {  	_ = 	snop;
	(pc) =	sbr.rel @!p0 .LBB2_13-.Ltmp11, $3  }
0x105: {  	_ =	sdelay $0x1  }
0x106: {  	s11 =	simm.s32 $0x3;
	s12 =	sshll.u32 s16, $0xD;
	s14 =	sadd.s32 $0x14F00, s15  }
0x107: {  	s13 =	sadd.s32 $0x15100, s12;
	s12 =	simm.s32 $0x134F0;
	s7 =	simm.s32 $0x11C70;
	[tilespmem:s15+$0x14F30] =	vst v5  }
.LBB2_12:
0x108: {  	[spmem:s3] =	stream.indirect.scatter.add.f32 [tilespmem:s13], [sflag:$0x2], $0x80, s14, s29, $0xb8;
	[tilespmem:$0x1E900] =	vst v63  }
0x109: {  	s13 =	smov.u32 s11;
	s11 =	sadd.s32 $0x1, s11;
	_ =	swait.ge [sflag:s4], $0x2000  }
0x10a: {  	s14 =	sadd.s32 $0x2, s13;
	p0 =	sne.s32 s10, s11;
	[sflag:s4] =	ssyncset.done $0x0  }
0x10b: {  	p1 =	sge.s32 s14, s10;
	[sflag:s4] =	ssyncadd.s32 $0xFFFFE000  }
0x10c: {  	s14 =	sand.u32 @!p1 $0x3, s14;
	v5 =	vld @!p1 [tilespmem:s7+$0xFFFFFFD0]  }
0x10d: {  	s15 =	sshll.u32 @!p1 s14, $0xD  }
0x10e: {  	s15 =	sadd.s32 @!p1 $0x15100, s15;
	_ =	sdelay $0x1  }
0x10f: {  	s14 =	sshll.u32 @!p1 s14, $0x7  }
0x110: {  	s16 =	sadd.s32 @!p1 $0x14D00, s14;
	[tilespmem:s14+$0x14D00] =	vst @!p1 v5  }
0x111: {  	v5 =	vld @!p1 [tilespmem:s7+$0xFFFFFFE0];
	_ =	sdelay $0x4  }
0x112: {  	[tilespmem:s14+$0x14D10] =	vst @!p1 v5  }
0x113: {  	v5 =	vld @!p1 [tilespmem:s7+$0xFFFFFFF0];
	_ =	sdelay $0x4  }
0x114: {  	[tilespmem:s14+$0x14D20] =	vst @!p1 v5  }
0x115: {  	v5 =	vld @!p1 [tilespmem:s7+$0x0];
	_ =	sdelay $0x4  }
0x116: {  	[tilespmem:s14+$0x14D30] =	vst @!p1 v5;
	s14 =	simm.s32 @!p1 $0x40  }
0x117: {  	[tilespmem:s15], [sflag:$0x1] =	stream.indirect.gather @!p1 [hbm4b:s6+s14], $0x80, s16, s14, $0xb8;
	[tilespmem:$0x1E900] =	vst v63  }
0x118: {  	_ =	swait.ge [sflag:s0], $0x2000  }
0x119: {  	[sflag:s0] =	ssyncset.done $0x0  }
0x11a: {  	[sflag:s0] =	ssyncadd.s32 $0xFFFFE000  }
0x11b: {  	v5 =	vld [tilespmem:s12+$0xFFFFFFD0];
	_ =	sdelay $0x2  }
0x11c: {  	s13 =	sand.u32 $0x3, s13  }
0x11d: {  	s14 =	sshll.u32 s13, $0xD;
	s15 =	sshll.u32 s13, $0x7  }
0x11e: {  	[tilespmem:s15+$0x14F00] =	vst v5  }
0x11f: {  	v5 =	vld [tilespmem:s12+$0xFFFFFFE0];
	_ =	sdelay $0x4  }
0x120: {  	[tilespmem:s15+$0x14F10] =	vst v5  }
0x121: {  	v5 =	vld [tilespmem:s12+$0xFFFFFFF0];
	_ =	sdelay $0x4  }
0x122: {  	[tilespmem:s15+$0x14F20] =	vst v5  }
0x123: {  	v5 =	vld [tilespmem:s12+$0x0]  }
.Ltmp12:
0x124: {  	(pc) =	sbr.rel @p0 .LBB2_12-.Ltmp12, $3  }
0x125: {  	_ =	sdelay $0x1  }
0x126: {  	s7 =	sadd.s32 $0x40, s7  }
0x127: {  	s13 =	sadd.s32 $0x15100, s14;
	s14 =	sadd.s32 $0x14F00, s15;
	s12 =	sadd.s32 $0x40, s12;
	[tilespmem:s15+$0x14F30] =	vst v5  }
.LBB2_13:
0x128: {  	[spmem:s3] =	stream.indirect.scatter.add.f32 [tilespmem:s13], [sflag:$0x2], $0x80, s14, s29, $0xb8;
	[tilespmem:$0x1E900] =	vst v63  }
.LBB2_14:
0x129: {  	p0 =	sgt.s32 s10, $0x2;
	s7 =	smov.u32 s10  }
0x12a: {  	s7 =	simm.s32 @!p0 $0x2  }
0x12b: {  	s11 =	sadd.s32 $0xFFFFFFFE, s7  }
0x12c: {  	p0 =	sge.s32 s11, s10  }
.Ltmp13:
0x12d: {  	_ = 	snop;
	(pc) =	sbr.rel @p0 .LBB2_18-.Ltmp13, $1  }
0x12e: {  	_ =	sdelay $0x3  }
0x12f: {  	s7 =	ssub.s32 s10, s7  }
0x130: {  	s7 =	sadd.s32 $0x2, s7  }
0x131: {  	p0 =	sne.s32 s7, $0x1  }
.Ltmp14:
0x132: {  	_ = 	snop;
	(pc) =	sbr.rel @!p0 .LBB2_17-.Ltmp14, $3  }
0x133: {  	_ =	sdelay $0x1  }
0x134: {  	_ =	swait.ge [sflag:s4], $0x2000  }
0x135: {  	[sflag:s4] =	ssyncset.done $0x0;
	s7 =	sadd.s32 $0xFFFFFFFF, s7  }
.LBB2_16:
0x136: {  	p0 =	sne.s32 s7, $0x1;
	s7 =	sadd.s32 $0xFFFFFFFF, s7;
	[sflag:s4] =	ssyncadd.s32 $0xFFFFE000  }
.Ltmp15:
0x137: {  	(pc) =	sbr.rel @p0 .LBB2_16-.Ltmp15, $3  }
0x138: {  	_ =	sdelay $0x1  }
0x139: {  	_ =	swait.ge [sflag:s4], $0x2000  }
0x13a: {  	[sflag:s4] =	ssyncset.done $0x0  }
.Ltmp16:
0x13b: {  	_ = 	snop;
	(pc) =	sbr.rel .LBB2_17-.Ltmp16, $1  }
0x13c: {  	_ =	sdelay $0x3  }
.LBB2_21:
0x13d: {  	_ =	sfence.sel $0x180000  }
0x13e: {  	[bflag:$0x0] =	sbarrier.arrive $0xFFFF  }
0x13f: {  	_ =	strace $0x90000047  }
0x140: {  	s0 =	stileid.u32;
	[bflag:$0x2] =	sbarrier.arrive $0xFFFF  }
0x141: {  	p0 =	sne.s32 s0, $0x0;
	s0 =	rddreg [dreg:$0x3]  }
0x142: {  	s0 =	sadd.s32 @!p0 $0x100000, s0  }
0x143: {  	[sflag:s0] =	ssyncadd.tile.s32 @!p0 $0x1;
	_ =	shalt  }
.Lfunc_end2:
_tile_overlayer_lowered:
.L_overlay_start_2:
0x144: {  	(tag) =	ssettag $0x2  }
0x145: {  	s0 =	rddreg [dreg:$0x0];
	s2 =	stileid.u32  }
0x146: {  	s1 =	rddreg [dreg:$0x1];
	p0 =	sne.s32 s2, $0x0  }
0x147: {  	s3 =	rddreg [dreg:$0x2];
	[bflag:$0x3] =	sbarrier.arrive $0xFFFF;
	s2 =	simm.s32 @!p0 $0x1C03  }
0x148: {  	[timem:s3], [sflag:s2] =	dma.local @!p0 [hbm:s0], s1  }
0x149: {  	s0 =	simm.s32 @!p0 $0x3  }
0x14a: {  	_ =	swait.ge @!p0 [sflag:s0], s1  }
0x14b: {  	s1 =	ssub.s32 @!p0 $0x0, s1;
	[sflag:s0] =	ssyncset.done @!p0 $0x0  }
0x14c: {  	[sflag:s0] =	ssyncadd.s32 @!p0 s1  }
0x14d: {  	[bflag:$0x3] =	sbarrier.arrive $0xFFFF  }
0x14e: {  	_ =	shalt  }

</sc_bundles>
